<compile_context>
chip_gen: v7x
topology: tpu7x:2x2x1
jax: 0.10.2.dev20260603
libtpu: 0.0.44.dev20260713+nightly
codegen_flags: <defaults>
</compile_context>

<pallas_src>
import functools

import jax
import jax.numpy as jnp
from jax import lax
from jax.experimental import pallas as pl
from jax.experimental.pallas import tpu as pltpu
from jax.experimental.pallas import tpu_sc as plsc

B = 16384
F = 128
P = 1000
L = 4

_NS = 16
_CHUNK = B // _NS


def _sc_sample_body(idx_hbm, mu_hbm, eps_hbm, lsig_hbm, out_hbm,
                    idx_v, mu_v, eps_v, sig_v, pb_v, sem):
    wid = lax.axis_index("s")
    base = wid * _CHUNK

    copies = [
        pltpu.async_copy(idx_hbm.at[pl.ds(base, _CHUNK)], idx_v, sem),
        pltpu.async_copy(mu_hbm, mu_v.at[pl.ds(0, P)], sem),
        pltpu.async_copy(lsig_hbm, sig_v, sem),
    ]
    copies += [
        pltpu.async_copy(eps_hbm.at[l, pl.ds(base, _CHUNK)], eps_v.at[l], sem)
        for l in range(L)
    ]
    for c in copies:
        c.wait()

    sigma = jnp.exp(sig_v[...])

    @plsc.parallel_loop(0, _CHUNK, step=16, unroll=4)
    def _step(off):
        ids = idx_v[pl.ds(off, 16)]
        m16 = plsc.load_gather(mu_v, [ids])
        for l in range(L):
            pb_v[l, pl.ds(off, 16)] = jnp.exp(
                m16 + sigma * eps_v[l, pl.ds(off, 16)])

    outs = [
        pltpu.async_copy(pb_v.at[l], out_hbm.at[pl.ds(l * B + base, _CHUNK)],
                         sem)
        for l in range(L)
    ]
    for c in outs:
        c.wait()


@functools.lru_cache(maxsize=1)
def _sc_sample():
    return functools.partial(
        pl.kernel,
        out_type=jax.ShapeDtypeStruct((L * B,), jnp.float32),
        mesh=plsc.VectorSubcoreMesh(core_axis_name="c", subcore_axis_name="s",
                                    num_cores=1),
        compiler_params=pltpu.CompilerParams(needs_layout_passes=False,
                                             skip_device_barrier=True),
        scratch_types=[
            pltpu.VMEM((_CHUNK,), jnp.int32),
            pltpu.VMEM((1024,), jnp.float32),
            pltpu.VMEM((L, _CHUNK), jnp.float32),
            pltpu.VMEM((16,), jnp.float32),
            pltpu.VMEM((L, _CHUNK), jnp.float32),
            pltpu.SemaphoreType.DMA,
        ],
    )(_sc_sample_body)


_RB = 4096


def _tc_matvec_body(bu_ref, bi_ref, sc_ref, u_ref, i_ref, out_ref):
    dn = (((1,), (1,)), ((), ()))
    base = lax.dot_general(bu_ref[...], u_ref[...], dn,
                           precision=lax.Precision.HIGHEST,
                           preferred_element_type=jnp.float32)
    base += lax.dot_general(bi_ref[...], i_ref[...], dn,
                            precision=lax.Precision.HIGHEST,
                            preferred_element_type=jnp.float32)
    out_ref[...] = (base + sc_ref[0]).reshape(_RB // 128, 128)


_tc_matvec = pl.pallas_call(
    _tc_matvec_body,
    grid=(B // _RB,),
    in_specs=[
        pl.BlockSpec((1, F), lambda i: (0, 0)),
        pl.BlockSpec((1, F), lambda i: (0, 0)),
        pl.BlockSpec(memory_space=pltpu.SMEM),
        pl.BlockSpec((_RB, F), lambda i: (i, 0)),
        pl.BlockSpec((_RB, F), lambda i: (i, 0)),
    ],
    out_specs=pl.BlockSpec((_RB // 128, 128), lambda i: (i, 0)),
    out_shape=jax.ShapeDtypeStruct((B // 128, 128), jnp.float32),
)


def _tc_combine_body(base_ref, pb_ref, out_ref):
    b = base_ref[...]
    nrows = B // 128
    for l in range(L):
        sl = pl.ds(l * nrows, nrows)
        out_ref[sl, :] = b + pb_ref[sl, :]


_tc_combine = pl.pallas_call(
    _tc_combine_body,
    in_specs=[
        pl.BlockSpec((B // 128, 128), lambda: (0, 0)),
        pl.BlockSpec((L * B // 128, 128), lambda: (0, 0)),
    ],
    out_specs=pl.BlockSpec((L * B // 128, 128), lambda: (0, 0)),
    out_shape=jax.ShapeDtypeStruct((L * B // 128, 128), jnp.float32),
)


def kernel(users, items, items_pop_idx, beta_user, beta_item, intercept,
           pop_bias_mu, pop_bias_log_sigma, eps, L_arg):
    idx = items_pop_idx.astype(jnp.int32)
    lsig = jnp.full((16,), pop_bias_log_sigma, dtype=jnp.float32)
    pb = _sc_sample()(idx, pop_bias_mu, eps, lsig)
    base = _tc_matvec(beta_user.reshape(1, F), beta_item.reshape(1, F),
                      intercept, users, items)
    out = _tc_combine(base, pb.reshape(L * B // 128, 128))
    return out.reshape(-1)

# --- scband reference (transcript-rebuilt; emitter-appended) ---
"""Pipeline reference for scband-beta-variational-estimator-5093831213809 (READ-ONLY COPY).

The authoritative reference and input builder live on the scoring server;
editing this copy changes nothing except your own understanding.
"""

import jax, jax.numpy as jnp
import numpy as np

B, F, P, L_SAMPLES = 16384, 128, 1000, 4

def setup_inputs(seed: int = 0) -> dict:
    key = jax.random.key(seed)
    ks = jax.random.split(key, 8)
    users = jax.random.normal(ks[0], (B, F), dtype=jnp.float32)
    items = jax.random.normal(ks[1], (B, F), dtype=jnp.float32)
    items_pop_idx = jax.random.randint(ks[2], (B,), 0, P)
    # learned parameters (per __init__)
    beta_user = jax.random.normal(ks[3], (F,), dtype=jnp.float32)
    beta_item = jax.random.normal(ks[4], (F,), dtype=jnp.float32)
    intercept = jnp.zeros((1,), dtype=jnp.float32)
    pop_bias_mu = jnp.zeros((P,), dtype=jnp.float32)
    pop_bias_log_sigma = jnp.zeros((), dtype=jnp.float32)  # heteroscedasticity=False -> scalar log_sigma
    # fixed reparameterization noise for the L lognormal samples
    eps = jax.random.normal(ks[5], (L_SAMPLES, B), dtype=jnp.float32)
    return {
        "users": users,
        "items": items,
        "items_pop_idx": items_pop_idx,
        "beta_user": beta_user,
        "beta_item": beta_item,
        "intercept": intercept,
        "pop_bias_mu": pop_bias_mu,
        "pop_bias_log_sigma": pop_bias_log_sigma,
        "eps": eps,
        "L": L_SAMPLES,
    }


def reference(users, items, items_pop_idx, beta_user, beta_item, intercept,
              pop_bias_mu, pop_bias_log_sigma, eps, L):
    # coef = concat([beta_user, beta_item])
    coef = jnp.concatenate([beta_user, beta_item], axis=0)  # [2F]
    covariate = jnp.concatenate([users, items], axis=1)     # [B, 2F]
    logits_base = jnp.sum(covariate * coef, axis=1) + intercept[0]  # [B]
    # pop_bias_var.sample_from_indices: lognormal reparameterized sample at gathered indices
    sigma = jnp.exp(pop_bias_log_sigma)
    mu_g = jnp.take(pop_bias_mu, items_pop_idx, axis=0)     # [B] gather
    pop_bias = jnp.exp(mu_g[None, :] + sigma * eps)         # [L, B]
    # loop over i in range(L): logits_base + pop_bias[i]; then concat over axis 0
    logits = jnp.reshape(logits_base[None, :] + pop_bias, (-1,))  # [L*B]
    return logits

if __name__ == "__main__":
    import jax
    _d = setup_inputs()
    print(jax.jit(kernel)(*tuple(_d.values())))

</pallas_src>

<mosaic_0001>
#map = affine_map<(d0, d1) -> (0)>
#map1 = affine_map<(d0, d1) -> (0, 0)>
module attributes {stable_mosaic.version = 14 : i64} {
  func.func @_sc_sample_body(%arg0: i32, %arg1: i32, %arg2: memref<16384xi32, #tpu.memory_space<hbm>>, %arg3: memref<1000xf32, #tpu.memory_space<hbm>>, %arg4: memref<4x16384xf32, #tpu.memory_space<hbm>>, %arg5: memref<16xf32, #tpu.memory_space<hbm>>, %arg6: memref<65536xf32, #tpu.memory_space<hbm>>, %arg7: memref<1024xi32, #tpu.memory_space<vmem>>, %arg8: memref<1024xf32, #tpu.memory_space<vmem>>, %arg9: memref<4x1024xf32, #tpu.memory_space<vmem>>, %arg10: memref<16xf32, #tpu.memory_space<vmem>>, %arg11: memref<4x1024xf32, #tpu.memory_space<vmem>>, %arg12: memref<!tpu.dma_semaphore, #tpu.memory_space<semaphore_mem>>) attributes {dimension_semantics = [#tpu.dimension_semantics<core_parallel>, #tpu.dimension_semantics<subcore_parallel>], iteration_bounds = array<i64: 1, 16>, scalar_prefetch = 0 : i64, scratch_operands = 6 : i64, tpu.core_type = #tpu.core_type<sc_vector_subcore>, window_params = [{transform_indices = #map}, {transform_indices = #map}, {transform_indices = #map1}, {transform_indices = #map}, {transform_indices = #map}]} {
    %mul3A = arith.constant 1024 : i32
    %mul3A_0 = arith.muli %arg1, %mul3A : i32
    %dma_start3A = tpu.memref_slice %arg2[%mul3A_0] : memref<16384xi32, #tpu.memory_space<hbm>> -> memref<1024xi32, #tpu.memory_space<hbm>>
    %dma_start3A_1 = tpu.memref_slice %arg2[%mul3A_0] : memref<16384xi32, #tpu.memory_space<hbm>> -> memref<1024xi32, #tpu.memory_space<hbm>>
    tpu.enqueue_dma source(%dma_start3A_1 : memref<1024xi32, #tpu.memory_space<hbm>>) target(%arg7 : memref<1024xi32, #tpu.memory_space<vmem>>) target_semaphore(%arg12 : memref<!tpu.dma_semaphore, #tpu.memory_space<semaphore_mem>>)
    %dma_start3A_2 = arith.constant 0 : i32
    %dma_start3A_3 = tpu.memref_slice %arg8[%dma_start3A_2] : memref<1024xf32, #tpu.memory_space<vmem>> -> memref<1000xf32, #tpu.memory_space<vmem>>
    %dma_start3A_4 = arith.constant 0 : i32
    %dma_start3A_5 = tpu.memref_slice %arg8[%dma_start3A_4] : memref<1024xf32, #tpu.memory_space<vmem>> -> memref<1000xf32, #tpu.memory_space<vmem>>
    tpu.enqueue_dma source(%arg3 : memref<1000xf32, #tpu.memory_space<hbm>>) target(%dma_start3A_5 : memref<1000xf32, #tpu.memory_space<vmem>>) target_semaphore(%arg12 : memref<!tpu.dma_semaphore, #tpu.memory_space<semaphore_mem>>)
    tpu.enqueue_dma source(%arg5 : memref<16xf32, #tpu.memory_space<hbm>>) target(%arg10 : memref<16xf32, #tpu.memory_space<vmem>>) target_semaphore(%arg12 : memref<!tpu.dma_semaphore, #tpu.memory_space<semaphore_mem>>)
    %dma_start3A_6 = arith.constant 0 : i32
    %dma_start3A_7 = arith.constant 0 : i32
    %dma_start3A_8 = arith.constant 0 : i32
    %dma_start3A_9 = tpu.memref_slice %arg9[%dma_start3A_7, %dma_start3A_8] : memref<4x1024xf32, #tpu.memory_space<vmem>> -> memref<1x1024xf32, #tpu.memory_space<vmem>>
    %dma_start3A_10 = tpu.memref_squeeze %dma_start3A_9 : memref<1x1024xf32, #tpu.memory_space<vmem>> -> memref<1024xf32, #tpu.memory_space<vmem>>
    %dma_start3A_11 = tpu.memref_slice %arg4[%dma_start3A_6, %mul3A_0] : memref<4x16384xf32, #tpu.memory_space<hbm>> -> memref<1x1024xf32, #tpu.memory_space<hbm>>
    %dma_start3A_12 = tpu.memref_squeeze %dma_start3A_11 : memref<1x1024xf32, #tpu.memory_space<hbm>> -> memref<1024xf32, #tpu.memory_space<hbm>>
    %dma_start3A_13 = arith.constant 0 : i32
    %dma_start3A_14 = tpu.memref_slice %arg9[%dma_start3A_7, %dma_start3A_13] : memref<4x1024xf32, #tpu.memory_space<vmem>> -> memref<1x1024xf32, #tpu.memory_space<vmem>>
    %dma_start3A_15 = tpu.memref_squeeze %dma_start3A_14 : memref<1x1024xf32, #tpu.memory_space<vmem>> -> memref<1024xf32, #tpu.memory_space<vmem>>
    %dma_start3A_16 = tpu.memref_slice %arg4[%dma_start3A_6, %mul3A_0] : memref<4x16384xf32, #tpu.memory_space<hbm>> -> memref<1x1024xf32, #tpu.memory_space<hbm>>
    %dma_start3A_17 = tpu.memref_squeeze %dma_start3A_16 : memref<1x1024xf32, #tpu.memory_space<hbm>> -> memref<1024xf32, #tpu.memory_space<hbm>>
    tpu.enqueue_dma source(%dma_start3A_17 : memref<1024xf32, #tpu.memory_space<hbm>>) target(%dma_start3A_15 : memref<1024xf32, #tpu.memory_space<vmem>>) target_semaphore(%arg12 : memref<!tpu.dma_semaphore, #tpu.memory_space<semaphore_mem>>)
    %dma_start3A_18 = arith.constant 1 : i32
    %dma_start3A_19 = arith.constant 1 : i32
    %dma_start3A_20 = arith.constant 0 : i32
    %dma_start3A_21 = tpu.memref_slice %arg9[%dma_start3A_19, %dma_start3A_20] : memref<4x1024xf32, #tpu.memory_space<vmem>> -> memref<1x1024xf32, #tpu.memory_space<vmem>>
    %dma_start3A_22 = tpu.memref_squeeze %dma_start3A_21 : memref<1x1024xf32, #tpu.memory_space<vmem>> -> memref<1024xf32, #tpu.memory_space<vmem>>
    %dma_start3A_23 = tpu.memref_slice %arg4[%dma_start3A_18, %mul3A_0] : memref<4x16384xf32, #tpu.memory_space<hbm>> -> memref<1x1024xf32, #tpu.memory_space<hbm>>
    %dma_start3A_24 = tpu.memref_squeeze %dma_start3A_23 : memref<1x1024xf32, #tpu.memory_space<hbm>> -> memref<1024xf32, #tpu.memory_space<hbm>>
    %dma_start3A_25 = arith.constant 0 : i32
    %dma_start3A_26 = tpu.memref_slice %arg9[%dma_start3A_19, %dma_start3A_25] : memref<4x1024xf32, #tpu.memory_space<vmem>> -> memref<1x1024xf32, #tpu.memory_space<vmem>>
    %dma_start3A_27 = tpu.memref_squeeze %dma_start3A_26 : memref<1x1024xf32, #tpu.memory_space<vmem>> -> memref<1024xf32, #tpu.memory_space<vmem>>
    %dma_start3A_28 = tpu.memref_slice %arg4[%dma_start3A_18, %mul3A_0] : memref<4x16384xf32, #tpu.memory_space<hbm>> -> memref<1x1024xf32, #tpu.memory_space<hbm>>
    %dma_start3A_29 = tpu.memref_squeeze %dma_start3A_28 : memref<1x1024xf32, #tpu.memory_space<hbm>> -> memref<1024xf32, #tpu.memory_space<hbm>>
    tpu.enqueue_dma source(%dma_start3A_29 : memref<1024xf32, #tpu.memory_space<hbm>>) target(%dma_start3A_27 : memref<1024xf32, #tpu.memory_space<vmem>>) target_semaphore(%arg12 : memref<!tpu.dma_semaphore, #tpu.memory_space<semaphore_mem>>)
    %dma_start3A_30 = arith.constant 2 : i32
    %dma_start3A_31 = arith.constant 2 : i32
    %dma_start3A_32 = arith.constant 0 : i32
    %dma_start3A_33 = tpu.memref_slice %arg9[%dma_start3A_31, %dma_start3A_32] : memref<4x1024xf32, #tpu.memory_space<vmem>> -> memref<1x1024xf32, #tpu.memory_space<vmem>>
    %dma_start3A_34 = tpu.memref_squeeze %dma_start3A_33 : memref<1x1024xf32, #tpu.memory_space<vmem>> -> memref<1024xf32, #tpu.memory_space<vmem>>
    %dma_start3A_35 = tpu.memref_slice %arg4[%dma_start3A_30, %mul3A_0] : memref<4x16384xf32, #tpu.memory_space<hbm>> -> memref<1x1024xf32, #tpu.memory_space<hbm>>
    %dma_start3A_36 = tpu.memref_squeeze %dma_start3A_35 : memref<1x1024xf32, #tpu.memory_space<hbm>> -> memref<1024xf32, #tpu.memory_space<hbm>>
    %dma_start3A_37 = arith.constant 0 : i32
    %dma_start3A_38 = tpu.memref_slice %arg9[%dma_start3A_31, %dma_start3A_37] : memref<4x1024xf32, #tpu.memory_space<vmem>> -> memref<1x1024xf32, #tpu.memory_space<vmem>>
    %dma_start3A_39 = tpu.memref_squeeze %dma_start3A_38 : memref<1x1024xf32, #tpu.memory_space<vmem>> -> memref<1024xf32, #tpu.memory_space<vmem>>
    %dma_start3A_40 = tpu.memref_slice %arg4[%dma_start3A_30, %mul3A_0] : memref<4x16384xf32, #tpu.memory_space<hbm>> -> memref<1x1024xf32, #tpu.memory_space<hbm>>
    %dma_start3A_41 = tpu.memref_squeeze %dma_start3A_40 : memref<1x1024xf32, #tpu.memory_space<hbm>> -> memref<1024xf32, #tpu.memory_space<hbm>>
    tpu.enqueue_dma source(%dma_start3A_41 : memref<1024xf32, #tpu.memory_space<hbm>>) target(%dma_start3A_39 : memref<1024xf32, #tpu.memory_space<vmem>>) target_semaphore(%arg12 : memref<!tpu.dma_semaphore, #tpu.memory_space<semaphore_mem>>)
    %dma_start3A_42 = arith.constant 3 : i32
    %dma_start3A_43 = arith.constant 3 : i32
    %dma_start3A_44 = arith.constant 0 : i32
    %dma_start3A_45 = tpu.memref_slice %arg9[%dma_start3A_43, %dma_start3A_44] : memref<4x1024xf32, #tpu.memory_space<vmem>> -> memref<1x1024xf32, #tpu.memory_space<vmem>>
    %dma_start3A_46 = tpu.memref_squeeze %dma_start3A_45 : memref<1x1024xf32, #tpu.memory_space<vmem>> -> memref<1024xf32, #tpu.memory_space<vmem>>
    %dma_start3A_47 = tpu.memref_slice %arg4[%dma_start3A_42, %mul3A_0] : memref<4x16384xf32, #tpu.memory_space<hbm>> -> memref<1x1024xf32, #tpu.memory_space<hbm>>
    %dma_start3A_48 = tpu.memref_squeeze %dma_start3A_47 : memref<1x1024xf32, #tpu.memory_space<hbm>> -> memref<1024xf32, #tpu.memory_space<hbm>>
    %dma_start3A_49 = arith.constant 0 : i32
    %dma_start3A_50 = tpu.memref_slice %arg9[%dma_start3A_43, %dma_start3A_49] : memref<4x1024xf32, #tpu.memory_space<vmem>> -> memref<1x1024xf32, #tpu.memory_space<vmem>>
    %dma_start3A_51 = tpu.memref_squeeze %dma_start3A_50 : memref<1x1024xf32, #tpu.memory_space<vmem>> -> memref<1024xf32, #tpu.memory_space<vmem>>
    %dma_start3A_52 = tpu.memref_slice %arg4[%dma_start3A_42, %mul3A_0] : memref<4x16384xf32, #tpu.memory_space<hbm>> -> memref<1x1024xf32, #tpu.memory_space<hbm>>
    %dma_start3A_53 = tpu.memref_squeeze %dma_start3A_52 : memref<1x1024xf32, #tpu.memory_space<hbm>> -> memref<1024xf32, #tpu.memory_space<hbm>>
    tpu.enqueue_dma source(%dma_start3A_53 : memref<1024xf32, #tpu.memory_space<hbm>>) target(%dma_start3A_51 : memref<1024xf32, #tpu.memory_space<vmem>>) target_semaphore(%arg12 : memref<!tpu.dma_semaphore, #tpu.memory_space<semaphore_mem>>)
    %dma_wait3A = tpu.memref_slice %arg2[%mul3A_0] : memref<16384xi32, #tpu.memory_space<hbm>> -> memref<1024xi32, #tpu.memory_space<hbm>>
    %dma_wait3A_54 = tpu.memref_slice %arg2[%mul3A_0] : memref<16384xi32, #tpu.memory_space<hbm>> -> memref<1024xi32, #tpu.memory_space<hbm>>
    tpu.wait_dma2 semaphore(%arg12 : memref<!tpu.dma_semaphore, #tpu.memory_space<semaphore_mem>>) src(%dma_wait3A_54 : memref<1024xi32, #tpu.memory_space<hbm>>) dst(%arg7 : memref<1024xi32, #tpu.memory_space<vmem>>)
    %dma_wait3A_55 = arith.constant 0 : i32
    %dma_wait3A_56 = tpu.memref_slice %arg8[%dma_wait3A_55] : memref<1024xf32, #tpu.memory_space<vmem>> -> memref<1000xf32, #tpu.memory_space<vmem>>
    %dma_wait3A_57 = arith.constant 0 : i32
    %dma_wait3A_58 = tpu.memref_slice %arg8[%dma_wait3A_57] : memref<1024xf32, #tpu.memory_space<vmem>> -> memref<1000xf32, #tpu.memory_space<vmem>>
    tpu.wait_dma2 semaphore(%arg12 : memref<!tpu.dma_semaphore, #tpu.memory_space<semaphore_mem>>) src(%arg3 : memref<1000xf32, #tpu.memory_space<hbm>>) dst(%dma_wait3A_58 : memref<1000xf32, #tpu.memory_space<vmem>>)
    tpu.wait_dma2 semaphore(%arg12 : memref<!tpu.dma_semaphore, #tpu.memory_space<semaphore_mem>>) src(%arg5 : memref<16xf32, #tpu.memory_space<hbm>>) dst(%arg10 : memref<16xf32, #tpu.memory_space<vmem>>)
    %dma_wait3A_59 = arith.constant 0 : i32
    %dma_wait3A_60 = arith.constant 0 : i32
    %dma_wait3A_61 = arith.constant 0 : i32
    %dma_wait3A_62 = tpu.memref_slice %arg9[%dma_wait3A_60, %dma_wait3A_61] : memref<4x1024xf32, #tpu.memory_space<vmem>> -> memref<1x1024xf32, #tpu.memory_space<vmem>>
    %dma_wait3A_63 = tpu.memref_squeeze %dma_wait3A_62 : memref<1x1024xf32, #tpu.memory_space<vmem>> -> memref<1024xf32, #tpu.memory_space<vmem>>
    %dma_wait3A_64 = tpu.memref_slice %arg4[%dma_wait3A_59, %mul3A_0] : memref<4x16384xf32, #tpu.memory_space<hbm>> -> memref<1x1024xf32, #tpu.memory_space<hbm>>
    %dma_wait3A_65 = tpu.memref_squeeze %dma_wait3A_64 : memref<1x1024xf32, #tpu.memory_space<hbm>> -> memref<1024xf32, #tpu.memory_space<hbm>>
    %dma_wait3A_66 = arith.constant 0 : i32
    %dma_wait3A_67 = tpu.memref_slice %arg9[%dma_wait3A_60, %dma_wait3A_66] : memref<4x1024xf32, #tpu.memory_space<vmem>> -> memref<1x1024xf32, #tpu.memory_space<vmem>>
    %dma_wait3A_68 = tpu.memref_squeeze %dma_wait3A_67 : memref<1x1024xf32, #tpu.memory_space<vmem>> -> memref<1024xf32, #tpu.memory_space<vmem>>
    %dma_wait3A_69 = tpu.memref_slice %arg4[%dma_wait3A_59, %mul3A_0] : memref<4x16384xf32, #tpu.memory_space<hbm>> -> memref<1x1024xf32, #tpu.memory_space<hbm>>
    %dma_wait3A_70 = tpu.memref_squeeze %dma_wait3A_69 : memref<1x1024xf32, #tpu.memory_space<hbm>> -> memref<1024xf32, #tpu.memory_space<hbm>>
    tpu.wait_dma2 semaphore(%arg12 : memref<!tpu.dma_semaphore, #tpu.memory_space<semaphore_mem>>) src(%dma_wait3A_70 : memref<1024xf32, #tpu.memory_space<hbm>>) dst(%dma_wait3A_68 : memref<1024xf32, #tpu.memory_space<vmem>>)
    %dma_wait3A_71 = arith.constant 1 : i32
    %dma_wait3A_72 = arith.constant 1 : i32
    %dma_wait3A_73 = arith.constant 0 : i32
    %dma_wait3A_74 = tpu.memref_slice %arg9[%dma_wait3A_72, %dma_wait3A_73] : memref<4x1024xf32, #tpu.memory_space<vmem>> -> memref<1x1024xf32, #tpu.memory_space<vmem>>
    %dma_wait3A_75 = tpu.memref_squeeze %dma_wait3A_74 : memref<1x1024xf32, #tpu.memory_space<vmem>> -> memref<1024xf32, #tpu.memory_space<vmem>>
    %dma_wait3A_76 = tpu.memref_slice %arg4[%dma_wait3A_71, %mul3A_0] : memref<4x16384xf32, #tpu.memory_space<hbm>> -> memref<1x1024xf32, #tpu.memory_space<hbm>>
    %dma_wait3A_77 = tpu.memref_squeeze %dma_wait3A_76 : memref<1x1024xf32, #tpu.memory_space<hbm>> -> memref<1024xf32, #tpu.memory_space<hbm>>
    %dma_wait3A_78 = arith.constant 0 : i32
    %dma_wait3A_79 = tpu.memref_slice %arg9[%dma_wait3A_72, %dma_wait3A_78] : memref<4x1024xf32, #tpu.memory_space<vmem>> -> memref<1x1024xf32, #tpu.memory_space<vmem>>
    %dma_wait3A_80 = tpu.memref_squeeze %dma_wait3A_79 : memref<1x1024xf32, #tpu.memory_space<vmem>> -> memref<1024xf32, #tpu.memory_space<vmem>>
    %dma_wait3A_81 = tpu.memref_slice %arg4[%dma_wait3A_71, %mul3A_0] : memref<4x16384xf32, #tpu.memory_space<hbm>> -> memref<1x1024xf32, #tpu.memory_space<hbm>>
    %dma_wait3A_82 = tpu.memref_squeeze %dma_wait3A_81 : memref<1x1024xf32, #tpu.memory_space<hbm>> -> memref<1024xf32, #tpu.memory_space<hbm>>
    tpu.wait_dma2 semaphore(%arg12 : memref<!tpu.dma_semaphore, #tpu.memory_space<semaphore_mem>>) src(%dma_wait3A_82 : memref<1024xf32, #tpu.memory_space<hbm>>) dst(%dma_wait3A_80 : memref<1024xf32, #tpu.memory_space<vmem>>)
    %dma_wait3A_83 = arith.constant 2 : i32
    %dma_wait3A_84 = arith.constant 2 : i32
    %dma_wait3A_85 = arith.constant 0 : i32
    %dma_wait3A_86 = tpu.memref_slice %arg9[%dma_wait3A_84, %dma_wait3A_85] : memref<4x1024xf32, #tpu.memory_space<vmem>> -> memref<1x1024xf32, #tpu.memory_space<vmem>>
    %dma_wait3A_87 = tpu.memref_squeeze %dma_wait3A_86 : memref<1x1024xf32, #tpu.memory_space<vmem>> -> memref<1024xf32, #tpu.memory_space<vmem>>
    %dma_wait3A_88 = tpu.memref_slice %arg4[%dma_wait3A_83, %mul3A_0] : memref<4x16384xf32, #tpu.memory_space<hbm>> -> memref<1x1024xf32, #tpu.memory_space<hbm>>
    %dma_wait3A_89 = tpu.memref_squeeze %dma_wait3A_88 : memref<1x1024xf32, #tpu.memory_space<hbm>> -> memref<1024xf32, #tpu.memory_space<hbm>>
    %dma_wait3A_90 = arith.constant 0 : i32
    %dma_wait3A_91 = tpu.memref_slice %arg9[%dma_wait3A_84, %dma_wait3A_90] : memref<4x1024xf32, #tpu.memory_space<vmem>> -> memref<1x1024xf32, #tpu.memory_space<vmem>>
    %dma_wait3A_92 = tpu.memref_squeeze %dma_wait3A_91 : memref<1x1024xf32, #tpu.memory_space<vmem>> -> memref<1024xf32, #tpu.memory_space<vmem>>
    %dma_wait3A_93 = tpu.memref_slice %arg4[%dma_wait3A_83, %mul3A_0] : memref<4x16384xf32, #tpu.memory_space<hbm>> -> memref<1x1024xf32, #tpu.memory_space<hbm>>
    %dma_wait3A_94 = tpu.memref_squeeze %dma_wait3A_93 : memref<1x1024xf32, #tpu.memory_space<hbm>> -> memref<1024xf32, #tpu.memory_space<hbm>>
    tpu.wait_dma2 semaphore(%arg12 : memref<!tpu.dma_semaphore, #tpu.memory_space<semaphore_mem>>) src(%dma_wait3A_94 : memref<1024xf32, #tpu.memory_space<hbm>>) dst(%dma_wait3A_92 : memref<1024xf32, #tpu.memory_space<vmem>>)
    %dma_wait3A_95 = arith.constant 3 : i32
    %dma_wait3A_96 = arith.constant 3 : i32
    %dma_wait3A_97 = arith.constant 0 : i32
    %dma_wait3A_98 = tpu.memref_slice %arg9[%dma_wait3A_96, %dma_wait3A_97] : memref<4x1024xf32, #tpu.memory_space<vmem>> -> memref<1x1024xf32, #tpu.memory_space<vmem>>
    %dma_wait3A_99 = tpu.memref_squeeze %dma_wait3A_98 : memref<1x1024xf32, #tpu.memory_space<vmem>> -> memref<1024xf32, #tpu.memory_space<vmem>>
    %dma_wait3A_100 = tpu.memref_slice %arg4[%dma_wait3A_95, %mul3A_0] : memref<4x16384xf32, #tpu.memory_space<hbm>> -> memref<1x1024xf32, #tpu.memory_space<hbm>>
    %dma_wait3A_101 = tpu.memref_squeeze %dma_wait3A_100 : memref<1x1024xf32, #tpu.memory_space<hbm>> -> memref<1024xf32, #tpu.memory_space<hbm>>
    %dma_wait3A_102 = arith.constant 0 : i32
    %dma_wait3A_103 = tpu.memref_slice %arg9[%dma_wait3A_96, %dma_wait3A_102] : memref<4x1024xf32, #tpu.memory_space<vmem>> -> memref<1x1024xf32, #tpu.memory_space<vmem>>
    %dma_wait3A_104 = tpu.memref_squeeze %dma_wait3A_103 : memref<1x1024xf32, #tpu.memory_space<vmem>> -> memref<1024xf32, #tpu.memory_space<vmem>>
    %dma_wait3A_105 = tpu.memref_slice %arg4[%dma_wait3A_95, %mul3A_0] : memref<4x16384xf32, #tpu.memory_space<hbm>> -> memref<1x1024xf32, #tpu.memory_space<hbm>>
    %dma_wait3A_106 = tpu.memref_squeeze %dma_wait3A_105 : memref<1x1024xf32, #tpu.memory_space<hbm>> -> memref<1024xf32, #tpu.memory_space<hbm>>
    tpu.wait_dma2 semaphore(%arg12 : memref<!tpu.dma_semaphore, #tpu.memory_space<semaphore_mem>>) src(%dma_wait3A_106 : memref<1024xf32, #tpu.memory_space<hbm>>) dst(%dma_wait3A_104 : memref<1024xf32, #tpu.memory_space<vmem>>)
    %get3A = arith.constant 0 : index
    %get3A_107 = tpu.vector_load %arg10[%get3A] {strides = array<i32>} : memref<16xf32, #tpu.memory_space<vmem>>, vector<16xf32>,
    %exp3A = math.exp %get3A_107 : vector<16xf32>
    %parallel_loop3A = arith.constant 0 : i32
    %parallel_loop3A_108 = arith.constant 1024 : i32
    %parallel_loop3A_109 = arith.constant 16 : i32
    scf.for %parallel_loop3A_189 = %parallel_loop3A to %parallel_loop3A_108 step %parallel_loop3A_109  : i32 {
      %parallel_loop3A_190 = arith.index_cast %parallel_loop3A_189 : i32 to index
      %parallel_loop3A_191 = tpu.vector_load %arg7[%parallel_loop3A_190] {strides = array<i32>} : memref<1024xi32, #tpu.memory_space<vmem>>, vector<16xi32>,
      %parallel_loop3A_192 = tpu.vector_load_idx %arg8[%parallel_loop3A_191] : memref<1024xf32, #tpu.memory_space<vmem>>[vector<16xi32>], vector<16xf32>,
      %parallel_loop3A_193 = arith.constant 0 : i32
      %parallel_loop3A_194 = arith.index_cast %parallel_loop3A_193 : i32 to index
      %parallel_loop3A_195 = arith.index_cast %parallel_loop3A_189 : i32 to index
      %parallel_loop3A_196 = tpu.vector_load %arg9[%parallel_loop3A_194, %parallel_loop3A_195] {strides = array<i32>} : memref<4x1024xf32, #tpu.memory_space<vmem>>, vector<16xf32>,
      %parallel_loop3A_197 = arith.mulf %exp3A, %parallel_loop3A_196 : vector<16xf32>
      %parallel_loop3A_198 = arith.addf %parallel_loop3A_192, %parallel_loop3A_197 : vector<16xf32>
      %parallel_loop3A_199 = math.exp %parallel_loop3A_198 : vector<16xf32>
      %parallel_loop3A_200 = arith.constant 0 : i32
      %parallel_loop3A_201 = arith.index_cast %parallel_loop3A_200 : i32 to index
      %parallel_loop3A_202 = arith.index_cast %parallel_loop3A_189 : i32 to index
      %parallel_loop3A_203 = tpu.vector_load %arg11[%parallel_loop3A_201, %parallel_loop3A_202] {strides = array<i32>} : memref<4x1024xf32, #tpu.memory_space<vmem>>, vector<16xf32>,
      tpu.vector_store %arg11[%parallel_loop3A_201, %parallel_loop3A_202], %parallel_loop3A_199 {strides = array<i32>} : memref<4x1024xf32, #tpu.memory_space<vmem>>, vector<16xf32>,
      %parallel_loop3A_204 = arith.constant 1 : i32
      %parallel_loop3A_205 = arith.index_cast %parallel_loop3A_204 : i32 to index
      %parallel_loop3A_206 = arith.index_cast %parallel_loop3A_189 : i32 to index
      %parallel_loop3A_207 = tpu.vector_load %arg9[%parallel_loop3A_205, %parallel_loop3A_206] {strides = array<i32>} : memref<4x1024xf32, #tpu.memory_space<vmem>>, vector<16xf32>,
      %parallel_loop3A_208 = arith.mulf %exp3A, %parallel_loop3A_207 : vector<16xf32>
      %parallel_loop3A_209 = arith.addf %parallel_loop3A_192, %parallel_loop3A_208 : vector<16xf32>
      %parallel_loop3A_210 = math.exp %parallel_loop3A_209 : vector<16xf32>
      %parallel_loop3A_211 = arith.constant 1 : i32
      %parallel_loop3A_212 = arith.index_cast %parallel_loop3A_211 : i32 to index
      %parallel_loop3A_213 = arith.index_cast %parallel_loop3A_189 : i32 to index
      %parallel_loop3A_214 = tpu.vector_load %arg11[%parallel_loop3A_212, %parallel_loop3A_213] {strides = array<i32>} : memref<4x1024xf32, #tpu.memory_space<vmem>>, vector<16xf32>,
      tpu.vector_store %arg11[%parallel_loop3A_212, %parallel_loop3A_213], %parallel_loop3A_210 {strides = array<i32>} : memref<4x1024xf32, #tpu.memory_space<vmem>>, vector<16xf32>,
      %parallel_loop3A_215 = arith.constant 2 : i32
      %parallel_loop3A_216 = arith.index_cast %parallel_loop3A_215 : i32 to index
      %parallel_loop3A_217 = arith.index_cast %parallel_loop3A_189 : i32 to index
      %parallel_loop3A_218 = tpu.vector_load %arg9[%parallel_loop3A_216, %parallel_loop3A_217] {strides = array<i32>} : memref<4x1024xf32, #tpu.memory_space<vmem>>, vector<16xf32>,
      %parallel_loop3A_219 = arith.mulf %exp3A, %parallel_loop3A_218 : vector<16xf32>
      %parallel_loop3A_220 = arith.addf %parallel_loop3A_192, %parallel_loop3A_219 : vector<16xf32>
      %parallel_loop3A_221 = math.exp %parallel_loop3A_220 : vector<16xf32>
      %parallel_loop3A_222 = arith.constant 2 : i32
      %parallel_loop3A_223 = arith.index_cast %parallel_loop3A_222 : i32 to index
      %parallel_loop3A_224 = arith.index_cast %parallel_loop3A_189 : i32 to index
      %parallel_loop3A_225 = tpu.vector_load %arg11[%parallel_loop3A_223, %parallel_loop3A_224] {strides = array<i32>} : memref<4x1024xf32, #tpu.memory_space<vmem>>, vector<16xf32>,
      tpu.vector_store %arg11[%parallel_loop3A_223, %parallel_loop3A_224], %parallel_loop3A_221 {strides = array<i32>} : memref<4x1024xf32, #tpu.memory_space<vmem>>, vector<16xf32>,
      %parallel_loop3A_226 = arith.constant 3 : i32
      %parallel_loop3A_227 = arith.index_cast %parallel_loop3A_226 : i32 to index
      %parallel_loop3A_228 = arith.index_cast %parallel_loop3A_189 : i32 to index
      %parallel_loop3A_229 = tpu.vector_load %arg9[%parallel_loop3A_227, %parallel_loop3A_228] {strides = array<i32>} : memref<4x1024xf32, #tpu.memory_space<vmem>>, vector<16xf32>,
      %parallel_loop3A_230 = arith.mulf %exp3A, %parallel_loop3A_229 : vector<16xf32>
      %parallel_loop3A_231 = arith.addf %parallel_loop3A_192, %parallel_loop3A_230 : vector<16xf32>
      %parallel_loop3A_232 = math.exp %parallel_loop3A_231 : vector<16xf32>
      %parallel_loop3A_233 = arith.constant 3 : i32
      %parallel_loop3A_234 = arith.index_cast %parallel_loop3A_233 : i32 to index
      %parallel_loop3A_235 = arith.index_cast %parallel_loop3A_189 : i32 to index
      %parallel_loop3A_236 = tpu.vector_load %arg11[%parallel_loop3A_234, %parallel_loop3A_235] {strides = array<i32>} : memref<4x1024xf32, #tpu.memory_space<vmem>>, vector<16xf32>,
      tpu.vector_store %arg11[%parallel_loop3A_234, %parallel_loop3A_235], %parallel_loop3A_232 {strides = array<i32>} : memref<4x1024xf32, #tpu.memory_space<vmem>>, vector<16xf32>,
    } {sc.loop_unroll_factor = 4 : i64, sc.parallel_access}
    %add3A = arith.constant 0 : i32
    %add3A_110 = arith.addi %add3A, %mul3A_0 : i32
    %dma_start3A_111 = arith.constant 0 : i32
    %dma_start3A_112 = arith.constant 0 : i32
    %dma_start3A_113 = tpu.memref_slice %arg11[%dma_start3A_111, %dma_start3A_112] : memref<4x1024xf32, #tpu.memory_space<vmem>> -> memref<1x1024xf32, #tpu.memory_space<vmem>>
    %dma_start3A_114 = tpu.memref_squeeze %dma_start3A_113 : memref<1x1024xf32, #tpu.memory_space<vmem>> -> memref<1024xf32, #tpu.memory_space<vmem>>
    %dma_start3A_115 = tpu.memref_slice %arg6[%add3A_110] : memref<65536xf32, #tpu.memory_space<hbm>> -> memref<1024xf32, #tpu.memory_space<hbm>>
    %dma_start3A_116 = tpu.memref_slice %arg6[%add3A_110] : memref<65536xf32, #tpu.memory_space<hbm>> -> memref<1024xf32, #tpu.memory_space<hbm>>
    %dma_start3A_117 = arith.constant 0 : i32
    %dma_start3A_118 = tpu.memref_slice %arg11[%dma_start3A_111, %dma_start3A_117] : memref<4x1024xf32, #tpu.memory_space<vmem>> -> memref<1x1024xf32, #tpu.memory_space<vmem>>
    %dma_start3A_119 = tpu.memref_squeeze %dma_start3A_118 : memref<1x1024xf32, #tpu.memory_space<vmem>> -> memref<1024xf32, #tpu.memory_space<vmem>>
    tpu.enqueue_dma source(%dma_start3A_119 : memref<1024xf32, #tpu.memory_space<vmem>>) target(%dma_start3A_116 : memref<1024xf32, #tpu.memory_space<hbm>>) target_semaphore(%arg12 : memref<!tpu.dma_semaphore, #tpu.memory_space<semaphore_mem>>)
    %add3A_120 = arith.constant 16384 : i32
    %add3A_121 = arith.addi %add3A_120, %mul3A_0 : i32
    %dma_start3A_122 = arith.constant 1 : i32
    %dma_start3A_123 = arith.constant 0 : i32
    %dma_start3A_124 = tpu.memref_slice %arg11[%dma_start3A_122, %dma_start3A_123] : memref<4x1024xf32, #tpu.memory_space<vmem>> -> memref<1x1024xf32, #tpu.memory_space<vmem>>
    %dma_start3A_125 = tpu.memref_squeeze %dma_start3A_124 : memref<1x1024xf32, #tpu.memory_space<vmem>> -> memref<1024xf32, #tpu.memory_space<vmem>>
    %dma_start3A_126 = tpu.memref_slice %arg6[%add3A_121] : memref<65536xf32, #tpu.memory_space<hbm>> -> memref<1024xf32, #tpu.memory_space<hbm>>
    %dma_start3A_127 = tpu.memref_slice %arg6[%add3A_121] : memref<65536xf32, #tpu.memory_space<hbm>> -> memref<1024xf32, #tpu.memory_space<hbm>>
    %dma_start3A_128 = arith.constant 0 : i32
    %dma_start3A_129 = tpu.memref_slice %arg11[%dma_start3A_122, %dma_start3A_128] : memref<4x1024xf32, #tpu.memory_space<vmem>> -> memref<1x1024xf32, #tpu.memory_space<vmem>>
    %dma_start3A_130 = tpu.memref_squeeze %dma_start3A_129 : memref<1x1024xf32, #tpu.memory_space<vmem>> -> memref<1024xf32, #tpu.memory_space<vmem>>
    tpu.enqueue_dma source(%dma_start3A_130 : memref<1024xf32, #tpu.memory_space<vmem>>) target(%dma_start3A_127 : memref<1024xf32, #tpu.memory_space<hbm>>) target_semaphore(%arg12 : memref<!tpu.dma_semaphore, #tpu.memory_space<semaphore_mem>>)
    %add3A_131 = arith.constant 32768 : i32
    %add3A_132 = arith.addi %add3A_131, %mul3A_0 : i32
    %dma_start3A_133 = arith.constant 2 : i32
    %dma_start3A_134 = arith.constant 0 : i32
    %dma_start3A_135 = tpu.memref_slice %arg11[%dma_start3A_133, %dma_start3A_134] : memref<4x1024xf32, #tpu.memory_space<vmem>> -> memref<1x1024xf32, #tpu.memory_space<vmem>>
    %dma_start3A_136 = tpu.memref_squeeze %dma_start3A_135 : memref<1x1024xf32, #tpu.memory_space<vmem>> -> memref<1024xf32, #tpu.memory_space<vmem>>
    %dma_start3A_137 = tpu.memref_slice %arg6[%add3A_132] : memref<65536xf32, #tpu.memory_space<hbm>> -> memref<1024xf32, #tpu.memory_space<hbm>>
    %dma_start3A_138 = tpu.memref_slice %arg6[%add3A_132] : memref<65536xf32, #tpu.memory_space<hbm>> -> memref<1024xf32, #tpu.memory_space<hbm>>
    %dma_start3A_139 = arith.constant 0 : i32
    %dma_start3A_140 = tpu.memref_slice %arg11[%dma_start3A_133, %dma_start3A_139] : memref<4x1024xf32, #tpu.memory_space<vmem>> -> memref<1x1024xf32, #tpu.memory_space<vmem>>
    %dma_start3A_141 = tpu.memref_squeeze %dma_start3A_140 : memref<1x1024xf32, #tpu.memory_space<vmem>> -> memref<1024xf32, #tpu.memory_space<vmem>>
    tpu.enqueue_dma source(%dma_start3A_141 : memref<1024xf32, #tpu.memory_space<vmem>>) target(%dma_start3A_138 : memref<1024xf32, #tpu.memory_space<hbm>>) target_semaphore(%arg12 : memref<!tpu.dma_semaphore, #tpu.memory_space<semaphore_mem>>)
    %add3A_142 = arith.constant 49152 : i32
    %add3A_143 = arith.addi %add3A_142, %mul3A_0 : i32
    %dma_start3A_144 = arith.constant 3 : i32
    %dma_start3A_145 = arith.constant 0 : i32
    %dma_start3A_146 = tpu.memref_slice %arg11[%dma_start3A_144, %dma_start3A_145] : memref<4x1024xf32, #tpu.memory_space<vmem>> -> memref<1x1024xf32, #tpu.memory_space<vmem>>
    %dma_start3A_147 = tpu.memref_squeeze %dma_start3A_146 : memref<1x1024xf32, #tpu.memory_space<vmem>> -> memref<1024xf32, #tpu.memory_space<vmem>>
    %dma_start3A_148 = tpu.memref_slice %arg6[%add3A_143] : memref<65536xf32, #tpu.memory_space<hbm>> -> memref<1024xf32, #tpu.memory_space<hbm>>
    %dma_start3A_149 = tpu.memref_slice %arg6[%add3A_143] : memref<65536xf32, #tpu.memory_space<hbm>> -> memref<1024xf32, #tpu.memory_space<hbm>>
    %dma_start3A_150 = arith.constant 0 : i32
    %dma_start3A_151 = tpu.memref_slice %arg11[%dma_start3A_144, %dma_start3A_150] : memref<4x1024xf32, #tpu.memory_space<vmem>> -> memref<1x1024xf32, #tpu.memory_space<vmem>>
    %dma_start3A_152 = tpu.memref_squeeze %dma_start3A_151 : memref<1x1024xf32, #tpu.memory_space<vmem>> -> memref<1024xf32, #tpu.memory_space<vmem>>
    tpu.enqueue_dma source(%dma_start3A_152 : memref<1024xf32, #tpu.memory_space<vmem>>) target(%dma_start3A_149 : memref<1024xf32, #tpu.memory_space<hbm>>) target_semaphore(%arg12 : memref<!tpu.dma_semaphore, #tpu.memory_space<semaphore_mem>>)
    %dma_wait3A_153 = arith.constant 0 : i32
    %dma_wait3A_154 = arith.constant 0 : i32
    %dma_wait3A_155 = tpu.memref_slice %arg11[%dma_wait3A_153, %dma_wait3A_154] : memref<4x1024xf32, #tpu.memory_space<vmem>> -> memref<1x1024xf32, #tpu.memory_space<vmem>>
    %dma_wait3A_156 = tpu.memref_squeeze %dma_wait3A_155 : memref<1x1024xf32, #tpu.memory_space<vmem>> -> memref<1024xf32, #tpu.memory_space<vmem>>
    %dma_wait3A_157 = tpu.memref_slice %arg6[%add3A_110] : memref<65536xf32, #tpu.memory_space<hbm>> -> memref<1024xf32, #tpu.memory_space<hbm>>
    %dma_wait3A_158 = tpu.memref_slice %arg6[%add3A_110] : memref<65536xf32, #tpu.memory_space<hbm>> -> memref<1024xf32, #tpu.memory_space<hbm>>
    %dma_wait3A_159 = arith.constant 0 : i32
    %dma_wait3A_160 = tpu.memref_slice %arg11[%dma_wait3A_153, %dma_wait3A_159] : memref<4x1024xf32, #tpu.memory_space<vmem>> -> memref<1x1024xf32, #tpu.memory_space<vmem>>
    %dma_wait3A_161 = tpu.memref_squeeze %dma_wait3A_160 : memref<1x1024xf32, #tpu.memory_space<vmem>> -> memref<1024xf32, #tpu.memory_space<vmem>>
    tpu.wait_dma2 semaphore(%arg12 : memref<!tpu.dma_semaphore, #tpu.memory_space<semaphore_mem>>) src(%dma_wait3A_161 : memref<1024xf32, #tpu.memory_space<vmem>>) dst(%dma_wait3A_158 : memref<1024xf32, #tpu.memory_space<hbm>>)
    %dma_wait3A_162 = arith.constant 1 : i32
    %dma_wait3A_163 = arith.constant 0 : i32
    %dma_wait3A_164 = tpu.memref_slice %arg11[%dma_wait3A_162, %dma_wait3A_163] : memref<4x1024xf32, #tpu.memory_space<vmem>> -> memref<1x1024xf32, #tpu.memory_space<vmem>>
    %dma_wait3A_165 = tpu.memref_squeeze %dma_wait3A_164 : memref<1x1024xf32, #tpu.memory_space<vmem>> -> memref<1024xf32, #tpu.memory_space<vmem>>
    %dma_wait3A_166 = tpu.memref_slice %arg6[%add3A_121] : memref<65536xf32, #tpu.memory_space<hbm>> -> memref<1024xf32, #tpu.memory_space<hbm>>
    %dma_wait3A_167 = tpu.memref_slice %arg6[%add3A_121] : memref<65536xf32, #tpu.memory_space<hbm>> -> memref<1024xf32, #tpu.memory_space<hbm>>
    %dma_wait3A_168 = arith.constant 0 : i32
    %dma_wait3A_169 = tpu.memref_slice %arg11[%dma_wait3A_162, %dma_wait3A_168] : memref<4x1024xf32, #tpu.memory_space<vmem>> -> memref<1x1024xf32, #tpu.memory_space<vmem>>
    %dma_wait3A_170 = tpu.memref_squeeze %dma_wait3A_169 : memref<1x1024xf32, #tpu.memory_space<vmem>> -> memref<1024xf32, #tpu.memory_space<vmem>>
    tpu.wait_dma2 semaphore(%arg12 : memref<!tpu.dma_semaphore, #tpu.memory_space<semaphore_mem>>) src(%dma_wait3A_170 : memref<1024xf32, #tpu.memory_space<vmem>>) dst(%dma_wait3A_167 : memref<1024xf32, #tpu.memory_space<hbm>>)
    %dma_wait3A_171 = arith.constant 2 : i32
    %dma_wait3A_172 = arith.constant 0 : i32
    %dma_wait3A_173 = tpu.memref_slice %arg11[%dma_wait3A_171, %dma_wait3A_172] : memref<4x1024xf32, #tpu.memory_space<vmem>> -> memref<1x1024xf32, #tpu.memory_space<vmem>>
    %dma_wait3A_174 = tpu.memref_squeeze %dma_wait3A_173 : memref<1x1024xf32, #tpu.memory_space<vmem>> -> memref<1024xf32, #tpu.memory_space<vmem>>
    %dma_wait3A_175 = tpu.memref_slice %arg6[%add3A_132] : memref<65536xf32, #tpu.memory_space<hbm>> -> memref<1024xf32, #tpu.memory_space<hbm>>
    %dma_wait3A_176 = tpu.memref_slice %arg6[%add3A_132] : memref<65536xf32, #tpu.memory_space<hbm>> -> memref<1024xf32, #tpu.memory_space<hbm>>
    %dma_wait3A_177 = arith.constant 0 : i32
    %dma_wait3A_178 = tpu.memref_slice %arg11[%dma_wait3A_171, %dma_wait3A_177] : memref<4x1024xf32, #tpu.memory_space<vmem>> -> memref<1x1024xf32, #tpu.memory_space<vmem>>
    %dma_wait3A_179 = tpu.memref_squeeze %dma_wait3A_178 : memref<1x1024xf32, #tpu.memory_space<vmem>> -> memref<1024xf32, #tpu.memory_space<vmem>>
    tpu.wait_dma2 semaphore(%arg12 : memref<!tpu.dma_semaphore, #tpu.memory_space<semaphore_mem>>) src(%dma_wait3A_179 : memref<1024xf32, #tpu.memory_space<vmem>>) dst(%dma_wait3A_176 : memref<1024xf32, #tpu.memory_space<hbm>>)
    %dma_wait3A_180 = arith.constant 3 : i32
    %dma_wait3A_181 = arith.constant 0 : i32
    %dma_wait3A_182 = tpu.memref_slice %arg11[%dma_wait3A_180, %dma_wait3A_181] : memref<4x1024xf32, #tpu.memory_space<vmem>> -> memref<1x1024xf32, #tpu.memory_space<vmem>>
    %dma_wait3A_183 = tpu.memref_squeeze %dma_wait3A_182 : memref<1x1024xf32, #tpu.memory_space<vmem>> -> memref<1024xf32, #tpu.memory_space<vmem>>
    %dma_wait3A_184 = tpu.memref_slice %arg6[%add3A_143] : memref<65536xf32, #tpu.memory_space<hbm>> -> memref<1024xf32, #tpu.memory_space<hbm>>
    %dma_wait3A_185 = tpu.memref_slice %arg6[%add3A_143] : memref<65536xf32, #tpu.memory_space<hbm>> -> memref<1024xf32, #tpu.memory_space<hbm>>
    %dma_wait3A_186 = arith.constant 0 : i32
    %dma_wait3A_187 = tpu.memref_slice %arg11[%dma_wait3A_180, %dma_wait3A_186] : memref<4x1024xf32, #tpu.memory_space<vmem>> -> memref<1x1024xf32, #tpu.memory_space<vmem>>
    %dma_wait3A_188 = tpu.memref_squeeze %dma_wait3A_187 : memref<1x1024xf32, #tpu.memory_space<vmem>> -> memref<1024xf32, #tpu.memory_space<vmem>>
    tpu.wait_dma2 semaphore(%arg12 : memref<!tpu.dma_semaphore, #tpu.memory_space<semaphore_mem>>) src(%dma_wait3A_188 : memref<1024xf32, #tpu.memory_space<vmem>>) dst(%dma_wait3A_185 : memref<1024xf32, #tpu.memory_space<hbm>>)
    return
  }
}

module attributes {stable_mosaic.version = 14 : i64} {
  func.func @_tc_combine_body(%arg0: memref<128x128xf32, #tpu.memory_space<vmem>>, %arg1: memref<512x128xf32, #tpu.memory_space<vmem>>, %arg2: memref<512x128xf32, #tpu.memory_space<vmem>>) attributes {dimension_semantics = [], scalar_prefetch = 0 : i64, scratch_operands = 0 : i64, tpu.core_type = #tpu.core_type<tc>} {
    %get3A = arith.constant 0 : index
    %get3A_0 = arith.constant 0 : index
    %get3A_1 = vector.load %arg0[%get3A, %get3A_0] : memref<128x128xf32, #tpu.memory_space<vmem>>, vector<128x128xf32>
    %get3A_2 = arith.constant 0 : index
    %get3A_3 = arith.constant 0 : index
    %get3A_4 = vector.load %arg1[%get3A_2, %get3A_3] : memref<512x128xf32, #tpu.memory_space<vmem>>, vector<128x128xf32>
    %add3A = arith.addf %get3A_1, %get3A_4 : vector<128x128xf32>
    %swap3A = arith.constant 0 : index
    %swap3A_5 = arith.constant 0 : index
    %swap3A_6 = vector.load %arg2[%swap3A, %swap3A_5] : memref<512x128xf32, #tpu.memory_space<vmem>>, vector<128x128xf32>
    tpu.vector_store %arg2[%swap3A, %swap3A_5], %add3A {strides = array<i32>} : memref<512x128xf32, #tpu.memory_space<vmem>>, vector<128x128xf32>,
    %get3A_7 = arith.constant 128 : index
    %get3A_8 = arith.constant 0 : index
    %get3A_9 = vector.load %arg1[%get3A_7, %get3A_8] : memref<512x128xf32, #tpu.memory_space<vmem>>, vector<128x128xf32>
    %add3A_10 = arith.addf %get3A_1, %get3A_9 : vector<128x128xf32>
    %swap3A_11 = arith.constant 128 : index
    %swap3A_12 = arith.constant 0 : index
    %swap3A_13 = vector.load %arg2[%swap3A_11, %swap3A_12] : memref<512x128xf32, #tpu.memory_space<vmem>>, vector<128x128xf32>
    tpu.vector_store %arg2[%swap3A_11, %swap3A_12], %add3A_10 {strides = array<i32>} : memref<512x128xf32, #tpu.memory_space<vmem>>, vector<128x128xf32>,
    %get3A_14 = arith.constant 256 : index
    %get3A_15 = arith.constant 0 : index
    %get3A_16 = vector.load %arg1[%get3A_14, %get3A_15] : memref<512x128xf32, #tpu.memory_space<vmem>>, vector<128x128xf32>
    %add3A_17 = arith.addf %get3A_1, %get3A_16 : vector<128x128xf32>
    %swap3A_18 = arith.constant 256 : index
    %swap3A_19 = arith.constant 0 : index
    %swap3A_20 = vector.load %arg2[%swap3A_18, %swap3A_19] : memref<512x128xf32, #tpu.memory_space<vmem>>, vector<128x128xf32>
    tpu.vector_store %arg2[%swap3A_18, %swap3A_19], %add3A_17 {strides = array<i32>} : memref<512x128xf32, #tpu.memory_space<vmem>>, vector<128x128xf32>,
    %get3A_21 = arith.constant 384 : index
    %get3A_22 = arith.constant 0 : index
    %get3A_23 = vector.load %arg1[%get3A_21, %get3A_22] : memref<512x128xf32, #tpu.memory_space<vmem>>, vector<128x128xf32>
    %add3A_24 = arith.addf %get3A_1, %get3A_23 : vector<128x128xf32>
    %swap3A_25 = arith.constant 384 : index
    %swap3A_26 = arith.constant 0 : index
    %swap3A_27 = vector.load %arg2[%swap3A_25, %swap3A_26] : memref<512x128xf32, #tpu.memory_space<vmem>>, vector<128x128xf32>
    tpu.vector_store %arg2[%swap3A_25, %swap3A_26], %add3A_24 {strides = array<i32>} : memref<512x128xf32, #tpu.memory_space<vmem>>, vector<128x128xf32>,
    return
  }
}

module attributes {stable_mosaic.version = 14 : i64} {
  func.func @_tc_matvec_body(%arg0: i32, %arg1: memref<1x128xf32, #tpu.memory_space<vmem>>, %arg2: memref<1x128xf32, #tpu.memory_space<vmem>>, %arg3: memref<1xf32, #tpu.memory_space<smem>>, %arg4: memref<4096x128xf32, #tpu.memory_space<vmem>>, %arg5: memref<4096x128xf32, #tpu.memory_space<vmem>>, %arg6: memref<32x128xf32, #tpu.memory_space<vmem>>) attributes {dimension_semantics = [#tpu.dimension_semantics<arbitrary>], iteration_bounds = array<i64: 4>, scalar_prefetch = 0 : i64, scratch_operands = 0 : i64, tpu.core_type = #tpu.core_type<tc>, window_params = [{pipeline_mode = #tpu.pipeline_mode<synchronous>, transform_indices = @transform_0, window_bounds = array<i64: 1, 128>}, {pipeline_mode = #tpu.pipeline_mode<synchronous>, transform_indices = @transform_1, window_bounds = array<i64: 1, 128>}, {transform_indices = @transform_2, window_bounds = array<i64: 1>}, {transform_indices = @transform_3, window_bounds = array<i64: 4096, 128>}, {transform_indices = @transform_4, window_bounds = array<i64: 4096, 128>}, {transform_indices = @transform_5, window_bounds = array<i64: 32, 128>}]} {
    %get3A = arith.constant 0 : index
    %get3A_0 = arith.constant 0 : index
    %get3A_1 = vector.load %arg1[%get3A, %get3A_0] : memref<1x128xf32, #tpu.memory_space<vmem>>, vector<1x128xf32>
    %get3A_2 = arith.constant 0 : index
    %get3A_3 = arith.constant 0 : index
    %get3A_4 = vector.load %arg4[%get3A_2, %get3A_3] : memref<4096x128xf32, #tpu.memory_space<vmem>>, vector<4096x128xf32>
    %dot_general3A = arith.constant dense<0.000000e+00> : vector<1x4096xf32>
    %dot_general3A_5 = tpu.matmul %get3A_1, %get3A_4, %dot_general3A {dimension_numbers = #tpu.dot_dimension_numbers<[1], [1], [0], [0], [0, 0, 1, 0], [], []>, precision = #tpu.contract_precision<fp32>, transpose_lhs_hint = false} : vector<1x128xf32>, vector<4096x128xf32>, vector<1x4096xf32> -> vector<1x4096xf32>
    %get3A_6 = arith.constant 0 : index
    %get3A_7 = arith.constant 0 : index
    %get3A_8 = vector.load %arg2[%get3A_6, %get3A_7] : memref<1x128xf32, #tpu.memory_space<vmem>>, vector<1x128xf32>
    %get3A_9 = arith.constant 0 : index
    %get3A_10 = arith.constant 0 : index
    %get3A_11 = vector.load %arg5[%get3A_9, %get3A_10] : memref<4096x128xf32, #tpu.memory_space<vmem>>, vector<4096x128xf32>
    %dot_general3A_12 = arith.constant dense<0.000000e+00> : vector<1x4096xf32>
    %dot_general3A_13 = tpu.matmul %get3A_8, %get3A_11, %dot_general3A_12 {dimension_numbers = #tpu.dot_dimension_numbers<[1], [1], [0], [0], [0, 0, 1, 0], [], []>, precision = #tpu.contract_precision<fp32>, transpose_lhs_hint = false} : vector<1x128xf32>, vector<4096x128xf32>, vector<1x4096xf32> -> vector<1x4096xf32>
    %add3A = arith.addf %dot_general3A_5, %dot_general3A_13 : vector<1x4096xf32>
    %get3A_14 = arith.constant 0 : index
    %get3A_15 = memref.load %arg3[%get3A_14] : memref<1xf32, #tpu.memory_space<smem>>
    %add3A_16 = vector.broadcast %get3A_15 : f32 to vector<1x4096xf32>
    %add3A_17 = arith.addf %add3A, %add3A_16 : vector<1x4096xf32>
    %reshape3A = vector.shape_cast %add3A_17 : vector<1x4096xf32> to vector<32x128xf32>
    %swap3A = arith.constant 0 : index
    %swap3A_18 = arith.constant 0 : index
    %swap3A_19 = vector.load %arg6[%swap3A, %swap3A_18] : memref<32x128xf32, #tpu.memory_space<vmem>>, vector<32x128xf32>
    tpu.vector_store %arg6[%swap3A, %swap3A_18], %reshape3A {strides = array<i32>} : memref<32x128xf32, #tpu.memory_space<vmem>>, vector<32x128xf32>,
    return
  }
  func.func @transform_0(%arg0: i32) -> (i32, i32) {
    %c0_i32 = arith.constant 0 : i32
    %c0_i32_0 = arith.constant 0 : i32
    %c0_i32_1 = arith.constant 0 : i32
    return %c0_i32, %c0_i32_0 : i32, i32
  }
  func.func @transform_1(%arg0: i32) -> (i32, i32) {
    %c0_i32 = arith.constant 0 : i32
    %c0_i32_0 = arith.constant 0 : i32
    %c0_i32_1 = arith.constant 0 : i32
    return %c0_i32, %c0_i32_0 : i32, i32
  }
  func.func @transform_2(%arg0: i32) -> i32 {
    %c0_i32 = arith.constant 0 : i32
    %c0_i32_0 = arith.constant 0 : i32
    return %c0_i32 : i32
  }
  func.func @transform_3(%arg0: i32) -> (i32, i32) {
    %c0_i32 = arith.constant 0 : i32
    %c0_i32_0 = arith.constant 0 : i32
    return %arg0, %c0_i32 : i32, i32
  }
  func.func @transform_4(%arg0: i32) -> (i32, i32) {
    %c0_i32 = arith.constant 0 : i32
    %c0_i32_0 = arith.constant 0 : i32
    return %arg0, %c0_i32 : i32, i32
  }
  func.func @transform_5(%arg0: i32) -> (i32, i32) {
    %c0_i32 = arith.constant 0 : i32
    %c0_i32_0 = arith.constant 0 : i32
    return %arg0, %c0_i32 : i32, i32
  }
}

</mosaic_0001>

<sc_bundles>
// kernel: kernel.5.cloned.1.call-start
scs
__scs_entry_jumppad:
0x0: {  	(pc) =	sbr.rel $0x88, $3  }
0x1: {  	(tag) =	ssettag $0x0;
	lr =	simm.s32 $0x1  }
0x2: {  	[smem:$0x3F98] =	sst lr;
	_ =	strace $0xD0000000  }
0x3: {  	_ = 	snop  }
0x4: {  	_ = 	snop  }
0x5: {  	_ = 	snop  }
0x6: {  	_ = 	snop  }
0x7: {  	_ = 	snop  }
__scs_overlays_trampoline_lowered:
0x8: {  	[smem:$0x3FA7] =	sst s0  }
0x9: {  	[smem:$0x3FA8] =	sst s1  }
0xa: {  	[smem:$0x3FA9] =	sst s2  }
0xb: {  	[smem:$0x3FAA] =	sst s3  }
0xc: {  	[smem:$0x3FAB] =	sst s4  }
0xd: {  	[smem:$0x3FAC] =	sst s5  }
0xe: {  	[smem:$0x3FAD] =	sst s6  }
0xf: {  	[smem:$0x3FAE] =	sst s7  }
0x10: {  	[smem:$0x3FAF] =	sst s8  }
0x11: {  	[smem:$0x3FB0] =	sst s9;
	s0 =	simm.s32 @!p0 $0x0  }
0x12: {  	s1 =	sld [smem:$0x3F96];
	s0 =	simm.s32 @p0 $0x1  }
0x13: {  	[smem:$0x3FB1] =	sst s0;
	s0 =	simm.s32 @!p1 $0x0  }
0x14: {  	s2 =	sld [smem:$0x3F95];
	s0 =	simm.s32 @p1 $0x1  }
0x15: {  	[smem:$0x3FB2] =	sst s0;
	s0 =	simm.s32 @!p2 $0x0  }
0x16: {  	s3 =	sld [smem:$0x3FDB];
	s0 =	simm.s32 @p2 $0x1  }
0x17: {  	s4 =	simm.s32 $0x1BF5;
	[smem:$0x3FB4] =	sst s0  }
0x18: {  	s0 =	sld [smem:$0x3F97];
	_ =	swait.ge [sflag:s4], $0x0  }
0x19: {  	s7 =	sld [smem:$0x3F98]  }
0x1a: {  	s8 =	sadd.s32 $0xFFFFE003, lr  }
0x1b: {  	s9 =	sadd.s32 $0xFFFFFEF7, lr;
	s5 =	simm.s32 $0xFFFFFFFF;
	p2 =	slt.u32 s8, $0xFFFFF086  }
0x1c: {  	p1 =	slt.u32 s9, $0xF7A;
	s5 =	simm.s32 @!p2 $0x0  }
0x1d: {  	s5 =	simm.s32 @p1 $0x1;
	p0 =	seq.s32 s7, s2  }
0x1e: {  	s7 =	smul.u32 @!p0 $0xF7A, s2;
	p2 =	seq.s32 @!p0 s5, $0x0  }
0x1f: {  	s9 =	smul.u32 $0xF7A, s1;
	s8 =	simm.s32 @!p0 $0x1BF5;
	p2 =	por !p2, p0  }
0x20: {  	[sflag:s8] =	ssyncset.s32 @!p0 $0xFFFFF086;
	s6 =	sadd.s32 @!p0 s3, s7;
	s7 =	simm.s32 @!p0 $0x108  }
0x21: {  	s3 =	sadd.s32 s3, s9;
	s6 =	sadd.s32 @!p0 $0x88, s6;
	s7 =	simm.s32 @p2 $0x1082  }
0x22: {  	[simem:s7], [sflag:s8] =	dma.local @!p0 [hbm:s6], $0xF7A  }
0x23: {  	s9 =	sor.u32 $0xD0000000, s2;
	s6 =	simm.s32 $0x108;
	_ =	swait.ge @!p0 [sflag:s8], $0x0  }
0x24: {  	s3 =	sadd.s32 $0x88, s3;
	s6 =	simm.s32 @!p1 $0x1082;
	[sflag:s4] =	ssyncset.s32 $0xFFFFF086  }
0x25: {  	[simem:s6], [sflag:s4] =	dma.local [hbm:s3], $0xF7A  }
0x26: {  	[smem:$0x3F98] =	sst s1;
	(tag) =	ssettag s2;
	_ =	strace s9  }
0x27: {  	s1 =	sld [smem:$0x3FA8]  }
0x28: {  	s2 =	sld [smem:$0x3FA9]  }
0x29: {  	s4 =	sld [smem:$0x3FAB]  }
0x2a: {  	p0 =	seq.s32 s5, $0x0;
	s5 =	sld [smem:$0x3FAC]  }
0x2b: {  	s6 =	sld [smem:$0x3FAD]  }
0x2c: {  	s7 =	sld [smem:$0x3FAE]  }
0x2d: {  	s3 =	simm.s32 $0x108;
	s8 =	sld [smem:$0x3FAF]  }
0x2e: {  	s3 =	simm.s32 @!p0 $0x1082;
	s9 =	sld [smem:$0x3FB0]  }
0x2f: {  	lr =	sadd.s32 s0, s3;
	s0 =	sld [smem:$0x3FA7]  }
0x30: {  	s3 =	sld [smem:$0x3FAA]  }
0x31: {  	[smem:$0x3FB3] =	sst s10  }
0x32: {  	s10 =	sld [smem:$0x3FB1];
	_ =	sdelay $0x3  }
0x33: {  	p0 =	seq.s32 s10, $0x1;
	s10 =	sld [smem:$0x3FB3];
	_ =	sdelay $0x3  }
0x34: {  	[smem:$0x3FB3] =	sst s10  }
0x35: {  	s10 =	sld [smem:$0x3FB2];
	_ =	sdelay $0x3  }
0x36: {  	p1 =	seq.s32 s10, $0x1;
	s10 =	sld [smem:$0x3FB3];
	_ =	sdelay $0x3  }
0x37: {  	[smem:$0x3FB3] =	sst s10  }
0x38: {  	s10 =	sld [smem:$0x3FB4]  }
0x39: {  	_ = 	snop;
	(pc) =	sbr.ind lr, $3  }
0x3a: {  	_ = 	snop  }
0x3b: {  	_ = 	snop  }
0x3c: {  	p2 =	seq.s32 s10, $0x1;
	s10 =	sld [smem:$0x3FB3]  }
0x3d: {  	_ =	shalt  }
0x3e: {  	_ =	shalt  }
0x3f: {  	_ =	shalt  }
0x40: {  	_ =	shalt  }
0x41: {  	_ =	shalt  }
0x42: {  	_ =	shalt  }
0x43: {  	_ =	shalt  }
0x44: {  	_ =	shalt  }
0x45: {  	_ =	shalt  }
0x46: {  	_ =	shalt  }
0x47: {  	_ =	shalt  }
0x48: {  	_ =	shalt  }
0x49: {  	_ =	shalt  }
0x4a: {  	_ =	shalt  }
0x4b: {  	_ =	shalt  }
0x4c: {  	_ =	shalt  }
0x4d: {  	_ =	shalt  }
0x4e: {  	_ =	shalt  }
0x4f: {  	_ =	shalt  }
0x50: {  	_ =	shalt  }
0x51: {  	_ =	shalt  }
0x52: {  	_ =	shalt  }
0x53: {  	_ =	shalt  }
0x54: {  	_ =	shalt  }
0x55: {  	_ =	shalt  }
0x56: {  	_ =	shalt  }
0x57: {  	_ =	shalt  }
0x58: {  	_ =	shalt  }
0x59: {  	_ =	shalt  }
0x5a: {  	_ =	shalt  }
0x5b: {  	_ =	shalt  }
0x5c: {  	_ =	shalt  }
0x5d: {  	_ =	shalt  }
0x5e: {  	_ =	shalt  }
0x5f: {  	_ =	shalt  }
0x60: {  	_ =	shalt  }
0x61: {  	_ =	shalt  }
0x62: {  	_ =	shalt  }
0x63: {  	_ =	shalt  }
0x64: {  	_ =	shalt  }
0x65: {  	_ =	shalt  }
0x66: {  	_ =	shalt  }
0x67: {  	_ =	shalt  }
0x68: {  	_ =	shalt  }
0x69: {  	_ =	shalt  }
0x6a: {  	_ =	shalt  }
0x6b: {  	_ =	shalt  }
0x6c: {  	_ =	shalt  }
0x6d: {  	_ =	shalt  }
0x6e: {  	_ =	shalt  }
0x6f: {  	_ =	shalt  }
0x70: {  	_ =	shalt  }
0x71: {  	_ =	shalt  }
0x72: {  	_ =	shalt  }
0x73: {  	_ =	shalt  }
0x74: {  	_ =	shalt  }
0x75: {  	_ =	shalt  }
0x76: {  	_ =	shalt  }
0x77: {  	_ =	shalt  }
0x78: {  	_ =	shalt  }
0x79: {  	_ =	shalt  }
0x7a: {  	_ =	shalt  }
0x7b: {  	_ =	shalt  }
0x7c: {  	_ =	shalt  }
0x7d: {  	_ =	shalt  }
0x7e: {  	_ =	shalt  }
0x7f: {  	_ =	shalt  }
0x80: {  	_ =	shalt  }
0x81: {  	_ =	shalt  }
0x82: {  	_ =	shalt  }
0x83: {  	_ =	shalt  }
0x84: {  	_ =	shalt  }
0x85: {  	_ =	shalt  }
0x86: {  	_ =	shalt  }
0x87: {  	_ =	shalt  }
.Lfunc_end0:
.L_simem_size_0:
called_computation_lowered:
.L_overlay_start_0:
0x88: {  	s0 =	sld [smem:$0x3FD9]  }
0x89: {  	s1 =	sld [smem:$0x3FFE];
	_ =	sdelay $0x3  }
0x8a: {  	s0 =	sadd.s32 s1, s0  }
0x8b: {  	[smem:$0x3FBF] =	sst s0  }
0x8c: {  	_ = 	snop  }
0x8d: {  	s0 =	sld [smem:$0x3FC7]  }
0x8e: {  	s16 =	sld [smem:$0x3FC3]  }
0x8f: {  	s2 =	sld [smem:$0x3FC1]  }
0x90: {  	s3 =	sld [smem:$0x3FD0];
	(tm) =	ssettm $0x1  }
0x91: {  	s4 =	sld [smem:$0x3FFB];
	_ =	sdelay $0x3  }
0x92: {  	_ =	strace s4  }
0x93: {  	s4 =	sld [smem:$0x3FFC];
	_ =	sdelay $0x3  }
0x94: {  	_ =	strace s4  }
0x95: {  	s4 =	sld [smem:$0x3FFD];
	_ =	sdelay $0x3  }
0x96: {  	_ =	strace s4  }
0x97: {  	_ =	strace $0x8FFFFFFF  }
0x98: {  	s17 =	sld [smem:$0x3FDB];
	_ =	sdelay $0x1  }
0x99: {  	s5 =	simm.s32 $_scs_section_size  }
0x9a: {  	s6 =	simm.s32 $_size__tile_overlayer_lowered;
	s7 =	simm.s32 $_tile_overlayer_lowered  }
0x9b: {  	s20 =	simm.s32 $0x1BFF;
	s19 =	sshll.u32 s7, $0x1;
	s4 =	sadd.s32 s5, s17  }
0x9c: {  	s8 =	simm.s32 $0x0;
	s18 =	sshll.u32 s6, $0x1;
	s6 =	sadd.s32 s19, s4  }
0x9d: {  	[timem:s8], [sflag:s20] =	dma.local [hbm:s6], s18  }
0x9e: {  	_ =	swait.ge [sflag:s20], s18  }
0x9f: {  	s5 =	ssub.s32 $0x0, s18;
	[sflag:s20] =	ssyncset.done $0x0  }
0xa0: {  	[sflag:s20] =	ssyncadd.s32 s5;
	_ =	sdelay $0x1  }
0xa1: {  	s21 =	simm.s32 $0x1B8B  }
0xa2: {  	_ =	swait.ge [sflag:s21], $0x1  }
0xa3: {  	[sflag:s21] =	ssyncset.done $0x0  }
0xa4: {  	s23 =	simm.s32 $0x1B8E;
	s22 =	sld [smem:$0x3FFE];
	[sflag:s21] =	ssyncadd.s32 $0xFFFFFFFF  }
0xa5: {  	s24 =	simm.s32 $execute0_lowered;
	[smem:$0x3FD2] =	sst s23  }
0xa6: {  	s6 =	sshll.u32 s24, $0x1;
	_ =	strace $0x80000046;
	[dreg:$0x1] =	wrdreg $0xFFFFFFFF  }
0xa7: {  	s25 =	simm.s32 $_size_execute0_lowered;
	s4 =	sadd.s32 s4, s6;
	[dreg:$0x0] =	wrdreg $0x0  }
0xa8: {  	s6 =	sshll.u32 s25, $0x1;
	[dreg:$0x2] =	wrdreg s4  }
0xa9: {  	[dreg:$0x3] =	wrdreg s6  }
0xaa: {  	[dreg:$0x4] =	wrdreg $0xC0  }
0xab: {  	_ =	task [dreg:s8], $0x5FFFF  }
0xac: {  	[dreg:$0x1] =	wrdreg $0xFFFFFFFF  }
0xad: {  	[dreg:$0x0] =	wrdreg $0x60  }
0xae: {  	[dreg:$0x2] =	wrdreg s0  }
0xaf: {  	[dreg:$0x3] =	wrdreg s16  }
0xb0: {  	[dreg:$0x4] =	wrdreg s2  }
0xb1: {  	[dreg:$0x5] =	wrdreg s22  }
0xb2: {  	[dreg:$0x6] =	wrdreg s3  }
0xb3: {  	[dreg:$0x7] =	wrdreg $0x9  }
0xb4: {  	_ =	task.clear_ibuf [dreg:s8], $0x8FFFF;
	_ =	strace $0x90000046  }
0xb5: {  	s26 =	simm.s32 $0x9;
	_ =	strace $0x80000048  }
0xb6: {  	_ =	swait.ge [sflag:s26], $0x1  }
0xb7: {  	[sflag:s26] =	ssyncadd.s32 $0xFFFFFFFF  }
0xb8: {  	_ =	strace $0x90000048  }
0xb9: {  	_ =	sfence  }
0xba: {  	s28 =	sld [smem:$0x0];
	_ =	sdelay $0x1  }
0xbb: {  	s29 =	srdreg.scid  }
0xbc: {  	s30 =	sshll.u32 s29, $0xD;
	s31 =	sshrl.u32 s29, $0x2  }
0xbd: {  	s1 =	sand.u32 $0x1, s29;
	s2 =	sand.u32 $0x4000, s30;
	s0 =	sadd.s32 s31, s28  }
0xbe: {  	s1 =	sor.u32 s2, s1;
	s0 =	sshll.u32 s0, $0x11  }
0xbf: {  	s0 =	sor.u32 s0, s1  }
0xc0: {  	s0 =	sadd.s32 $0x8F2B, s0  }
0xc1: {  	[sflag:s0] =	ssyncadd.remote.s32 $0x1  }
0xc2: {  	_ =	sfence.sel $0xFFFF  }
0xc3: {  	[dreg:$0x0] =	wrdreg $0xFFFFFFFF;
	(pc) =	sbr.abs _section_cstart, $3  }
0xc4: {  	[dreg:$0x1] =	wrdreg $0xFFFFFFFF  }
0xc5: {  	_ =	task.clear_ibuf [dreg:s8], $0x2FFFF;
	_ =	strace $0x9FFFFFFF  }
0xc6: {  	(tm) =	ssettm $0x7FFFFFFF  }
0xc7: {  	_ =	shalt  }
tec
execute0_lowered:
.L_overlay_start_1:
0x0: {  	(tag) =	ssettag $0x1  }
0x1: {  	s0 =	rddreg [dreg:$0x0]  }
0x2: {  	s2 =	rddreg [dreg:$0x1]  }
0x3: {  	s5 =	rddreg [dreg:$0x2];
	s6 =	simm.s32 $0x0;
	s1 =	stileid.u32  }
0x4: {  	[smem:$0x7FF] =	sst s6;
	s3 =	sshll.u32 s1, $0x7  }
0x5: {  	s7 =	rddreg [dreg:$0x3];
	_ =	strace $0x80000047;
	s0 =	sadd.s32 s0, s3  }
0x6: {  	[tilespmem:s6], [sflag:$0x1] =	stream.linear.gather [hbm4b:s0+s6], $0x400, $0x38;
	[tilespmem:$0x2880] =	vst v63  }
0x7: {  	[dreg:$0x6] =	wrdreg s3;
	s3 =	simm.s32 $0x400  }
0x8: {  	[tilespmem:s3], [sflag:$0x1] =	stream.linear.gather [hbm4b:s2+s6], $0x3E8, $0x38;
	[tilespmem:$0x2880] =	vst v63  }
0x9: {  	s19 =	simm.s32 $0x1800;
	s17 =	sadd.s32 $0xE00, s7;
	s18 =	sshll.u32 s1, $0x9  }
0xa: {  	[tilespmem:s19], [sflag:$0x1] =	stream.linear.gather [hbm4b:s17+s6], $0x80, $0x38;
	[tilespmem:$0x2880] =	vst v63  }
0xb: {  	s20 =	simm.s32 $0x800;
	s0 =	sadd.s32 s5, s18  }
0xc: {  	[tilespmem:s20], [sflag:$0x1] =	stream.linear.gather [hbm4b:s0+s6], $0x80, $0x38;
	[tilespmem:$0x2880] =	vst v63  }
0xd: {  	s22 =	simm.s32 $0xA00;
	s21 =	sadd.s32 $0x40, s0  }
0xe: {  	[tilespmem:s22], [sflag:$0x1] =	stream.linear.gather [hbm4b:s21+s6], $0x80, $0x38;
	[tilespmem:$0x2880] =	vst v63  }
0xf: {  	s24 =	simm.s32 $0xC00;
	s23 =	sadd.s32 $0x80, s0  }
0x10: {  	[tilespmem:s24], [sflag:$0x1] =	stream.linear.gather [hbm4b:s23+s6], $0x80, $0x38;
	[tilespmem:$0x2880] =	vst v63  }
0x11: {  	s26 =	simm.s32 $0xE00;
	s25 =	sadd.s32 $0xC0, s0  }
0x12: {  	[tilespmem:s26], [sflag:$0x1] =	stream.linear.gather [hbm4b:s25+s6], $0x80, $0x38;
	[tilespmem:$0x2880] =	vst v63  }
0x13: {  	s4 =	simm.s32 $0x1000;
	s1 =	sadd.s32 $0x100, s0  }
0x14: {  	[tilespmem:s4], [sflag:$0x1] =	stream.linear.gather [hbm4b:s1+s6], $0x80, $0x38;
	[tilespmem:$0x2880] =	vst v63  }
0x15: {  	s8 =	simm.s32 $0x1200;
	s7 =	sadd.s32 $0x140, s0  }
0x16: {  	[tilespmem:s8], [sflag:$0x1] =	stream.linear.gather [hbm4b:s7+s6], $0x80, $0x38;
	[tilespmem:$0x2880] =	vst v63  }
0x17: {  	s10 =	simm.s32 $0x1400;
	s9 =	sadd.s32 $0x180, s0  }
0x18: {  	[tilespmem:s10], [sflag:$0x1] =	stream.linear.gather [hbm4b:s9+s6], $0x80, $0x38;
	[tilespmem:$0x2880] =	vst v63  }
0x19: {  	s12 =	simm.s32 $0x1600;
	s11 =	sadd.s32 $0x1C0, s0  }
0x1a: {  	[tilespmem:s12], [sflag:$0x1] =	stream.linear.gather [hbm4b:s11+s6], $0x80, $0x38;
	[tilespmem:$0x2880] =	vst v63  }
0x1b: {  	s14 =	simm.s32 $0x880;
	s13 =	sadd.s32 $0x10, s0  }
0x1c: {  	[tilespmem:s14], [sflag:$0x1] =	stream.linear.gather [hbm4b:s13+s6], $0x80, $0x38;
	[tilespmem:$0x2880] =	vst v63  }
0x1d: {  	s16 =	simm.s32 $0xA80;
	s15 =	sadd.s32 $0x50, s0  }
0x1e: {  	[tilespmem:s16], [sflag:$0x1] =	stream.linear.gather [hbm4b:s15+s6], $0x80, $0x38;
	[tilespmem:$0x2880] =	vst v63  }
0x1f: {  	s18 =	simm.s32 $0xC80;
	s17 =	sadd.s32 $0x90, s0  }
0x20: {  	[tilespmem:s18], [sflag:$0x1] =	stream.linear.gather [hbm4b:s17+s6], $0x80, $0x38;
	[tilespmem:$0x2880] =	vst v63  }
0x21: {  	s19 =	sadd.s32 $0xD0, s0;
	s20 =	simm.s32 $0xE80  }
0x22: {  	[tilespmem:s20], [sflag:$0x1] =	stream.linear.gather [hbm4b:s19+s6], $0x80, $0x38;
	[tilespmem:$0x2880] =	vst v63  }
0x23: {  	s21 =	sadd.s32 $0x110, s0;
	s22 =	simm.s32 $0x1080  }
0x24: {  	[tilespmem:s22], [sflag:$0x1] =	stream.linear.gather [hbm4b:s21+s6], $0x80, $0x38;
	[tilespmem:$0x2880] =	vst v63  }
0x25: {  	s23 =	sadd.s32 $0x150, s0;
	s24 =	simm.s32 $0x1280  }
0x26: {  	[tilespmem:s24], [sflag:$0x1] =	stream.linear.gather [hbm4b:s23+s6], $0x80, $0x38;
	[tilespmem:$0x2880] =	vst v63  }
0x27: {  	s25 =	sadd.s32 $0x190, s0;
	s26 =	simm.s32 $0x1480  }
0x28: {  	[tilespmem:s26], [sflag:$0x1] =	stream.linear.gather [hbm4b:s25+s6], $0x80, $0x38;
	[tilespmem:$0x2880] =	vst v63  }
0x29: {  	s1 =	sadd.s32 $0x1D0, s0;
	s4 =	simm.s32 $0x1680  }
0x2a: {  	[tilespmem:s4], [sflag:$0x1] =	stream.linear.gather [hbm4b:s1+s6], $0x80, $0x38;
	[tilespmem:$0x2880] =	vst v63  }
0x2b: {  	s7 =	sadd.s32 $0x20, s0;
	s8 =	simm.s32 $0x900  }
0x2c: {  	[tilespmem:s8], [sflag:$0x1] =	stream.linear.gather [hbm4b:s7+s6], $0x80, $0x38;
	[tilespmem:$0x2880] =	vst v63  }
0x2d: {  	s9 =	sadd.s32 $0x60, s0;
	s10 =	simm.s32 $0xB00  }
0x2e: {  	[tilespmem:s10], [sflag:$0x1] =	stream.linear.gather [hbm4b:s9+s6], $0x80, $0x38;
	[tilespmem:$0x2880] =	vst v63  }
0x2f: {  	s11 =	sadd.s32 $0xA0, s0;
	s12 =	simm.s32 $0xD00  }
0x30: {  	[tilespmem:s12], [sflag:$0x1] =	stream.linear.gather [hbm4b:s11+s6], $0x80, $0x38;
	[tilespmem:$0x2880] =	vst v63  }
0x31: {  	s13 =	sadd.s32 $0xE0, s0;
	s14 =	simm.s32 $0xF00  }
0x32: {  	[tilespmem:s14], [sflag:$0x1] =	stream.linear.gather [hbm4b:s13+s6], $0x80, $0x38;
	[tilespmem:$0x2880] =	vst v63  }
0x33: {  	s15 =	sadd.s32 $0x120, s0;
	s16 =	simm.s32 $0x1100  }
0x34: {  	[tilespmem:s16], [sflag:$0x1] =	stream.linear.gather [hbm4b:s15+s6], $0x80, $0x38;
	[tilespmem:$0x2880] =	vst v63  }
0x35: {  	s17 =	sadd.s32 $0x160, s0;
	s18 =	simm.s32 $0x1300  }
0x36: {  	[tilespmem:s18], [sflag:$0x1] =	stream.linear.gather [hbm4b:s17+s6], $0x80, $0x38;
	[tilespmem:$0x2880] =	vst v63  }
0x37: {  	s19 =	sadd.s32 $0x1A0, s0;
	s20 =	simm.s32 $0x1500  }
0x38: {  	[tilespmem:s20], [sflag:$0x1] =	stream.linear.gather [hbm4b:s19+s6], $0x80, $0x38;
	[tilespmem:$0x2880] =	vst v63  }
0x39: {  	s21 =	sadd.s32 $0x1E0, s0;
	s22 =	simm.s32 $0x1700  }
0x3a: {  	[tilespmem:s22], [sflag:$0x1] =	stream.linear.gather [hbm4b:s21+s6], $0x80, $0x38;
	[tilespmem:$0x2880] =	vst v63  }
0x3b: {  	s23 =	sadd.s32 $0x30, s0;
	s24 =	simm.s32 $0x980  }
0x3c: {  	[tilespmem:s24], [sflag:$0x1] =	stream.linear.gather [hbm4b:s23+s6], $0x80, $0x38;
	[tilespmem:$0x2880] =	vst v63  }
0x3d: {  	s25 =	sadd.s32 $0x70, s0;
	s26 =	simm.s32 $0xB80  }
0x3e: {  	[tilespmem:s26], [sflag:$0x1] =	stream.linear.gather [hbm4b:s25+s6], $0x80, $0x38;
	[tilespmem:$0x2880] =	vst v63  }
0x3f: {  	s1 =	sadd.s32 $0xB0, s0;
	s4 =	simm.s32 $0xD80  }
0x40: {  	[tilespmem:s4], [sflag:$0x1] =	stream.linear.gather [hbm4b:s1+s6], $0x80, $0x38;
	[tilespmem:$0x2880] =	vst v63  }
0x41: {  	s7 =	sadd.s32 $0xF0, s0;
	s8 =	simm.s32 $0xF80  }
0x42: {  	[tilespmem:s8], [sflag:$0x1] =	stream.linear.gather [hbm4b:s7+s6], $0x80, $0x38;
	[tilespmem:$0x2880] =	vst v63  }
0x43: {  	s9 =	sadd.s32 $0x130, s0;
	s10 =	simm.s32 $0x1180  }
0x44: {  	[tilespmem:s10], [sflag:$0x1] =	stream.linear.gather [hbm4b:s9+s6], $0x80, $0x38;
	[tilespmem:$0x2880] =	vst v63  }
0x45: {  	s11 =	sadd.s32 $0x170, s0;
	s12 =	simm.s32 $0x1380  }
0x46: {  	[tilespmem:s12], [sflag:$0x1] =	stream.linear.gather [hbm4b:s11+s6], $0x80, $0x38;
	[tilespmem:$0x2880] =	vst v63  }
0x47: {  	s13 =	sadd.s32 $0x1B0, s0;
	s14 =	simm.s32 $0x1580  }
0x48: {  	[tilespmem:s14], [sflag:$0x1] =	stream.linear.gather [hbm4b:s13+s6], $0x80, $0x38;
	[tilespmem:$0x2880] =	vst v63  }
0x49: {  	s0 =	sadd.s32 $0x1F0, s0;
	s15 =	simm.s32 $0x1780;
	s16 =	simm.s32 $0x1  }
0x4a: {  	[tilespmem:s15], [sflag:$0x1] =	stream.linear.gather [hbm4b:s0+s6], $0x80, $0x38;
	[tilespmem:$0x2880] =	vst v63  }
0x4b: {  	_ =	swait.ge [sflag:s16], $0x400  }
0x4c: {  	[sflag:s16] =	ssyncset.done $0x0  }
0x4d: {  	[sflag:s16] =	ssyncadd.s32 $0xFFFFFC00  }
0x4e: {  	_ =	swait.ge [sflag:s16], $0x3E8  }
0x4f: {  	[sflag:s16] =	ssyncset.done $0x0  }
0x50: {  	[sflag:s16] =	ssyncadd.s32 $0xFFFFFC18  }
0x51: {  	_ =	swait.ge [sflag:s16], $0x80  }
0x52: {  	[sflag:s16] =	ssyncset.done $0x0  }
0x53: {  	[sflag:s16] =	ssyncadd.s32 $0xFFFFFF80  }
0x54: {  	_ =	swait.ge [sflag:s16], $0x400  }
0x55: {  	[sflag:s16] =	ssyncset.done $0x0  }
0x56: {  	[sflag:s16] =	ssyncadd.s32 $0xFFFFFC00  }
0x57: {  	_ =	swait.ge [sflag:s16], $0x400  }
0x58: {  	[sflag:s16] =	ssyncset.done $0x0  }
0x59: {  	[sflag:s16] =	ssyncadd.s32 $0xFFFFFC00  }
0x5a: {  	_ =	swait.ge [sflag:s16], $0x400  }
0x5b: {  	[sflag:s16] =	ssyncset.done $0x0  }
0x5c: {  	[sflag:s16] =	ssyncadd.s32 $0xFFFFFC00  }
0x5d: {  	_ =	swait.ge [sflag:s16], $0x400  }
0x5e: {  	[sflag:s16] =	ssyncset.done $0x0  }
0x5f: {  	[sflag:s16] =	ssyncadd.s32 $0xFFFFFC00  }
0x60: {  	v0 =	vld [tilespmem:$0x1800];
	_ =	sdelay $0x1  }
0x61: {  	s17 =	simm.s32 $0x0  }
0x62: {  	s18 =	sand.u32 $0x40, s17  }
0x63: {  	s19 =	sor.u32 $0x20, s18;
	s0 =	sand.u32 $0x380, s17  }
0x64: {  	s8 =	sor.u32 s19, s0;
	v0 =	vmul.f32 $1.442695020e+00, v0  }
0x65: {  	v1 =	vld [tilespmem:s8+$0x0]  }
0x66: {  	s20 =	simm.s32 $0x0;
	s9 =	sor.u32 $0x10, s18;
	(erf) = vpow2.f32 v0  }
0x67: {  	s12 =	sor.u32 $0x30, s18;
	s21 =	sor.u32 s9, s0;
	v2 =	vld [tilespmem:s20+$0x0]  }
0x68: {  	s6 =	sand.u32 $0xE00, s6;
	s0 =	sor.u32 s12, s0;
	v3 =	vld [tilespmem:s21+$0x0]  }
0x69: {  	s10 =	sor.u32 s18, s6;
	v4 =	vld [tilespmem:s0+$0x0]  }
0x6a: {  	s22 =	sor.u32 s19, s6;
	v5 =	vld [tilespmem:s10+$0x880]  }
0x6b: {  	v6 =	vld [tilespmem:s22+$0x880]  }
0x6c: {  	v7 =	vld [tilespmem:s22+$0x800]  }
0x6d: {  	v12 =	vld.idx.msk [tilespmem:v1+s3+$0x0], $0xffff  }
0x6e: {  	s23 =	simm.s32 $0x40;
	v1 =	vld [tilespmem:s10+$0x800]  }
0x6f: {  	s24 =	sand.u32 $0x40, s23;
	v9 =	vld.idx.msk [tilespmem:v2+s3+$0x0], $0xffff;
	v0 =	vpop (erf)  }
0x70: {  	s26 =	sor.u32 $0x20, s24;
	s13 =	sor.u32 $0x10, s24;
	s11 =	sor.u32 s9, s6;
	v2 =	vmul.f32 v6, v0  }
0x71: {  	s15 =	sor.u32 $0x30, s24;
	s2 =	sor.u32 s12, s6;
	s6 =	sand.u32 $0x380, s23;
	v8 =	vld [tilespmem:s11+$0x800];
	v7 =	vmul.f32 v7, v0  }
0x72: {  	s1 =	sor.u32 s26, s6;
	s14 =	sor.u32 s13, s6;
	s6 =	sor.u32 s15, s6;
	v13 =	vld [tilespmem:s2+$0x800];
	v5 =	vmul.f32 v5, v0;
	v2 =	vadd.f32 v2, v12  }
0x73: {  	v14 =	vld [tilespmem:s6+$0x0];
	v1 =	vmul.f32 v1, v0;
	v7 =	vadd.f32 v7, v12  }
0x74: {  	v10 =	vld.idx.msk [tilespmem:v3+s3+$0x0], $0xffff;
	v3 =	vadd.f32 v5, v9;
	v2 =	vmul.f32 $1.442695020e+00, v2  }
0x75: {  	v11 =	vld.idx.msk [tilespmem:v4+s3+$0x0], $0xffff;
	v1 =	vadd.f32 v1, v9;
	v7 =	vmul.f32 $1.442695020e+00, v7  }
0x76: {  	v5 =	vld [tilespmem:s2+$0x880];
	(erf) = vpow2.f32 v2;
	v2 =	vmul.f32 $1.442695020e+00, v3  }
0x77: {  	s4 =	simm.s32 $0x100;
	v4 =	vld [tilespmem:s1+$0x0];
	v1 =	vmul.f32 $1.442695020e+00, v1;
	(erf) = vpow2.f32 v7  }
0x78: {  	s25 =	simm.s32 $0x40;
	s5 =	sand.u32 $0xE00, s4;
	v6 =	vld [tilespmem:s11+$0x880];
	(erf) = vpow2.f32 v2  }
0x79: {  	s13 =	sor.u32 s13, s5;
	v3 =	vld [tilespmem:s25+$0x0];
	(erf) = vpow2.f32 v1  }
0x7a: {  	s7 =	sor.u32 s15, s5;
	v17 =	vld [tilespmem:s13+$0x880];
	v1 =	vmul.f32 v13, v0  }
0x7b: {  	s6 =	sor.u32 s26, s5;
	v19 =	vld [tilespmem:s7+$0x800];
	v2 =	vmul.f32 v5, v0  }
0x7c: {  	v15 =	vld [tilespmem:s6+$0x880];
	v1 =	vadd.f32 v1, v11  }
0x7d: {  	p0 =	por $0x0, $0x0;
	s9 =	sor.u32 s24, s5;
	s8 =	simm.s32 $0x1;
	v8 =	vmul.f32 v8, v0;
	v7 =	vld [tilespmem:s14+$0x0];
	v2 =	vadd.f32 v2, v11  }
0x7e: {  	s8 =	simm.s32 @!p0 $0x0;
	v6 =	vmul.f32 v6, v0;
	v13 =	vld [tilespmem:s9+$0x880];
	v16 =	vmul.f32 $1.442695020e+00, v1  }
0x7f: {  	s8 =	sshll.u32 s8, $0x6;
	v2 =	vmul.f32 $1.442695020e+00, v2;
	v1 =	vld.idx.msk [tilespmem:v4+s3+$0x0], $0xffff;
	v4 =	vadd.f32 v8, v10;
	v18 =	vpop (erf)  }
0x80: {  	s8 =	sadd.s32 $0x0, s8;
	v6 =	vadd.f32 v6, v10;
	v20 =	vpop (erf);
	(erf) = vpow2.f32 v16;
	v16 =	vld [tilespmem:s6+$0x800];
	[tilespmem:s22+$0x1900] =	vst v18  }
0x81: {  	s16 =	sadd.s32 $0x20, s8;
	[tilespmem:s22+$0x1880] =	vst v20;
	v8 =	vpop (erf);
	(erf) = vpow2.f32 v2;
	v2 =	vld.idx.msk [tilespmem:v3+s3+$0x0], $0xffff;
	v3 =	vmul.f32 $1.442695020e+00, v4  }
0x82: {  	s15 =	simm.s32 $0x80;
	s18 =	sor.u32 $0x100, s16;
	v5 =	vld [tilespmem:s9+$0x800];
	v6 =	vmul.f32 $1.442695020e+00, v6;
	v20 =	vpop (erf);
	[tilespmem:s10+$0x1900] =	vst v8  }
0x83: {  	s19 =	sand.u32 $0x40, s15;
	s14 =	sor.u32 $0x100, s8;
	v18 =	vld [tilespmem:s18+$0x800];
	[tilespmem:s10+$0x1880] =	vst v20;
	(erf) = vpow2.f32 v3  }
0x84: {  	s20 =	sand.u32 $0x380, s15;
	s25 =	sor.u32 $0x30, s19;
	v8 =	vmul.f32 v15, v0;
	v4 =	vld [tilespmem:s14+$0x800];
	(erf) = vpow2.f32 v6  }
0x85: {  	v21 =	vld [tilespmem:s7+$0x880];
	s26 =	sor.u32 s25, s20;
	v3 =	vmul.f32 v16, v0  }
0x86: {  	s21 =	sor.u32 $0x20, s19;
	v22 =	vld [tilespmem:s26+$0x0];
	v13 =	vmul.f32 v13, v0;
	v15 =	vadd.f32 v8, v1  }
0x87: {  	s24 =	sor.u32 s21, s20;
	v5 =	vmul.f32 v5, v0;
	v7 =	vld.idx.msk [tilespmem:v7+s3+$0x0], $0xffff;
	v3 =	vadd.f32 v3, v1  }
0x88: {  	s17 =	simm.s32 $0x80;
	v20 =	vld [tilespmem:s24+$0x0];
	v15 =	vmul.f32 $1.442695020e+00, v15;
	v23 =	vadd.f32 v13, v2;
	v18 =	vmul.f32 v18, v0  }
0x89: {  	s23 =	sor.u32 $0x10, s19;
	v6 =	vld [tilespmem:s17+$0x0];
	v25 =	vadd.f32 v5, v2;
	v16 =	vpop (erf);
	v4 =	vmul.f32 v4, v0;
	v3 =	vmul.f32 $1.442695020e+00, v3  }
0x8a: {  	s0 =	sadd.s32 $0x30, s8;
	s22 =	sor.u32 s23, s20;
	v5 =	vld.idx.msk [tilespmem:v14+s3+$0x0], $0xffff;
	(erf) = vpow2.f32 v15;
	v14 =	vmul.f32 $1.442695020e+00, v23;
	v24 =	vpop (erf);
	[tilespmem:s2+$0x1880] =	vst v16  }
0x8b: {  	s5 =	sor.u32 $0x100, s0;
	v8 =	vld [tilespmem:s22+$0x0];
	s22 =	simm.s32 $0x200;
	v23 =	vmul.f32 $1.442695020e+00, v25;
	[tilespmem:s2+$0x1900] =	vst v24;
	v4 =	vadd.f32 v4, v9;
	(erf) = vpow2.f32 v3  }
0x8c: {  	s1 =	simm.s32 $0xC0;
	s10 =	simm.s32 $0xC0;
	s26 =	sand.u32 $0xE00, s22;
	v3 =	vld [tilespmem:s5+$0x800];
	(erf) = vpow2.f32 v14;
	v14 =	vadd.f32 v18, v12;
	v18 =	vpop (erf)  }
0x8d: {  	s15 =	sand.u32 $0x40, s10;
	v13 =	vld [tilespmem:s1+$0x0];
	s21 =	sor.u32 s21, s26;
	s2 =	sadd.s32 $0x10, s8;
	v4 =	vmul.f32 $1.442695020e+00, v4;
	(erf) = vpow2.f32 v23;
	[tilespmem:s11+$0x1880] =	vst v18;
	v18 =	vpop (erf)  }
0x8e: {  	s24 =	sand.u32 $0x380, s10;
	s12 =	sor.u32 $0x10, s15;
	v28 =	vld [tilespmem:s21+$0x800];
	s22 =	sor.u32 $0x100, s2;
	[tilespmem:s11+$0x1900] =	vst v18;
	v18 =	vmul.f32 v19, v0;
	v14 =	vmul.f32 $1.442695020e+00, v14  }
0x8f: {  	s4 =	sor.u32 s12, s24;
	v19 =	vmul.f32 v21, v0;
	(erf) = vpow2.f32 v4;
	v4 =	vld [tilespmem:s22+$0x800]  }
0x90: {  	v15 =	vld [tilespmem:s4+$0x0];
	v18 =	vadd.f32 v18, v5  }
0x91: {  	s19 =	sor.u32 s19, s26;
	v24 =	vld [tilespmem:s13+$0x800];
	(erf) = vpow2.f32 v14;
	v14 =	vadd.f32 v19, v5;
	v3 =	vmul.f32 v3, v0  }
0x92: {  	p0 =	por !p0, !p0;
	v25 =	vld [tilespmem:s19+$0x800];
	v18 =	vmul.f32 $1.442695020e+00, v18  }
0x93: {  	v17 =	vmul.f32 v17, v0;
	v21 =	vld [tilespmem:s19+$0x880];
	s11 =	sor.u32 s23, s26;
	s23 =	sor.u32 s25, s26;
	s25 =	simm.s32 $0x1;
	v26 =	vpop (erf);
	v14 =	vmul.f32 $1.442695020e+00, v14;
	v3 =	vadd.f32 v3, v11  }
0x94: {  	s25 =	simm.s32 @!p0 $0x0;
	v19 =	vld [tilespmem:s21+$0x880];
	(erf) = vpow2.f32 v18;
	v27 =	vpop (erf);
	v4 =	vmul.f32 v4, v0  }
0x95: {  	s25 =	sshll.u32 s25, $0x6;
	(erf) = vpow2.f32 v14;
	v14 =	vmul.f32 $1.442695020e+00, v3;
	v3 =	vld.idx.msk [tilespmem:v20+s3+$0x0], $0xffff;
	v20 =	vpop (erf)  }
0x96: {  	v17 =	vadd.f32 v17, v7;
	v23 =	vmul.f32 v24, v0;
	s1 =	sadd.s32 $0x100, s25;
	v18 =	vld [tilespmem:s23+$0x800];
	v29 =	vpop (erf);
	[tilespmem:s9+$0x1900] =	vst v20;
	v20 =	vadd.f32 v4, v10  }
0x97: {  	s29 =	sor.u32 $0x100, s1;
	v4 =	vld.idx.msk [tilespmem:v6+s3+$0x0], $0xffff;
	[tilespmem:s9+$0x1880] =	vst v29;
	(erf) = vpow2.f32 v14  }
0x98: {  	v17 =	vmul.f32 $1.442695020e+00, v17;
	v23 =	vadd.f32 v23, v7;
	[tilespmem:s6+$0x1880] =	vst v27;
	v27 =	vld [tilespmem:s29+$0x800];
	v6 =	vmul.f32 $1.442695020e+00, v20  }
0x99: {  	v28 =	vmul.f32 v28, v0;
	s28 =	sadd.s32 $0x20, s1;
	[tilespmem:s6+$0x1900] =	vst v26;
	v19 =	vmul.f32 v19, v0;
	v20 =	vld [tilespmem:s23+$0x880];
	v14 =	vpop (erf)  }
0x9a: {  	s30 =	sor.u32 $0x100, s28;
	v23 =	vmul.f32 $1.442695020e+00, v23;
	v26 =	vpop (erf);
	(erf) = vpow2.f32 v6;
	v6 =	vld.idx.msk [tilespmem:v22+s3+$0x0], $0xffff;
	[tilespmem:s14+$0x1880] =	vst v14  }
0x9b: {  	s8 =	sor.u32 $0x180, s8;
	v25 =	vmul.f32 v25, v0;
	v21 =	vmul.f32 v21, v0;
	v19 =	vadd.f32 v19, v3;
	[tilespmem:s18+$0x1880] =	vst v26;
	v26 =	vld [tilespmem:s30+$0x800]  }
0x9c: {  	s17 =	sor.u32 $0x20, s15;
	s6 =	sor.u32 $0x180, s16;
	v18 =	vmul.f32 v18, v0;
	(erf) = vpow2.f32 v23;
	v23 =	vadd.f32 v28, v3;
	v28 =	vld [tilespmem:s8+$0x800]  }
0x9d: {  	s20 =	sor.u32 s17, s24;
	v25 =	vadd.f32 v25, v4;
	v29 =	vld [tilespmem:s6+$0x800];
	v22 =	vmul.f32 $1.442695020e+00, v19;
	(erf) = vpow2.f32 v17  }
0x9e: {  	v16 =	vld [tilespmem:s20+$0x0];
	v21 =	vadd.f32 v21, v4;
	v14 =	vpop (erf);
	v27 =	vmul.f32 v27, v0;
	v20 =	vmul.f32 v20, v0  }
0x9f: {  	s31 =	sor.u32 $0x30, s15;
	v8 =	vld.idx.msk [tilespmem:v8+s3+$0x0], $0xffff;
	v25 =	vmul.f32 $1.442695020e+00, v25;
	v17 =	vpop (erf);
	(erf) = vpow2.f32 v22;
	[tilespmem:s7+$0x1880] =	vst v14  }
0xa0: {  	s4 =	sor.u32 s31, s24;
	v24 =	vld [tilespmem:s11+$0x800];
	[tilespmem:s7+$0x1900] =	vst v17;
	v17 =	vmul.f32 $1.442695020e+00, v21;
	v21 =	vmul.f32 $1.442695020e+00, v23;
	v18 =	vadd.f32 v18, v6;
	v14 =	vpop (erf)  }
0xa1: {  	s18 =	sadd.s32 $0x30, s1;
	v19 =	vld [tilespmem:s4+$0x0];
	v26 =	vmul.f32 v26, v0;
	v28 =	vmul.f32 v28, v0;
	[tilespmem:s5+$0x1880] =	vst v14;
	v14 =	vadd.f32 v20, v6  }
0xa2: {  	s14 =	simm.s32 $0x300;
	s24 =	sor.u32 $0x100, s18;
	v22 =	vld [tilespmem:s11+$0x880];
	v23 =	vadd.f32 v27, v2;
	(erf) = vpow2.f32 v21;
	v20 =	vmul.f32 v29, v0  }
0xa3: {  	s7 =	sor.u32 $0x180, s0;
	v27 =	vld [tilespmem:s24+$0x800];
	s5 =	sand.u32 $0xE00, s14;
	v18 =	vmul.f32 $1.442695020e+00, v18;
	(erf) = vpow2.f32 v17  }
0xa4: {  	v21 =	vld [tilespmem:s7+$0x800];
	s16 =	sor.u32 s15, s5;
	v17 =	vmul.f32 $1.442695020e+00, v23;
	v23 =	vadd.f32 v26, v1;
	v9 =	vadd.f32 v28, v9  }
0xa5: {  	s15 =	sor.u32 s17, s5;
	v26 =	vld [tilespmem:s16+$0x880];
	v29 =	vmul.f32 $1.442695020e+00, v14;
	(erf) = vpow2.f32 v25;
	v12 =	vadd.f32 v20, v12;
	v14 =	vpop (erf)  }
0xa6: {  	s9 =	sor.u32 $0x180, s2;
	v20 =	vld [tilespmem:s15+$0x880];
	v23 =	vmul.f32 $1.442695020e+00, v23;
	v28 =	vmul.f32 $1.442695020e+00, v9;
	[tilespmem:s22+$0x1880] =	vst v14  }
0xa7: {  	(erf) = vpow2.f32 v17;
	v12 =	vmul.f32 $1.442695020e+00, v12;
	v25 =	vpop (erf);
	v17 =	vld [tilespmem:s9+$0x800]  }
0xa8: {  	s20 =	sadd.s32 $0x10, s1;
	v9 =	vld.idx.msk [tilespmem:v16+s3+$0x0], $0xffff;
	(erf) = vpow2.f32 v23;
	[tilespmem:s13+$0x1880] =	vst v25;
	v25 =	vmul.f32 v27, v0;
	v27 =	vpop (erf)  }
0xa9: {  	s25 =	sor.u32 $0x100, s20;
	v14 =	vld [tilespmem:s16+$0x800];
	(erf) = vpow2.f32 v18;
	[tilespmem:s13+$0x1900] =	vst v27  }
0xaa: {  	v24 =	vmul.f32 v24, v0;
	s12 =	sor.u32 s12, s5;
	(erf) = vpow2.f32 v29;
	v18 =	vld [tilespmem:s25+$0x800];
	v25 =	vadd.f32 v25, v5  }
0xab: {  	v23 =	vld [tilespmem:s12+$0x880];
	v21 =	vmul.f32 v21, v0;
	(erf) = vpow2.f32 v12  }
0xac: {  	s17 =	sor.u32 s31, s5;
	v27 =	vld [tilespmem:s12+$0x800];
	v12 =	vpop (erf);
	v25 =	vmul.f32 $1.442695020e+00, v25;
	v17 =	vmul.f32 v17, v0  }
0xad: {  	p0 =	por !p0, !p0;
	s0 =	simm.s32 $0x1;
	v22 =	vmul.f32 v22, v0;
	v29 =	vld [tilespmem:s17+$0x800];
	v21 =	vadd.f32 v21, v11;
	v30 =	vpop (erf);
	(erf) = vpow2.f32 v28  }
0xae: {  	s0 =	simm.s32 @!p0 $0x0;
	v11 =	vld.idx.msk [tilespmem:v15+s3+$0x0], $0xffff;
	v28 =	vmul.f32 v20, v0;
	[tilespmem:s21+$0x1900] =	vst v12;
	v16 =	vpop (erf);
	(erf) = vpow2.f32 v25;
	v10 =	vadd.f32 v17, v10  }
0xaf: {  	s0 =	sshll.u32 s0, $0x6;
	v22 =	vadd.f32 v22, v8;
	[tilespmem:s21+$0x1880] =	vst v30;
	v30 =	vld [tilespmem:s15+$0x800];
	v21 =	vmul.f32 $1.442695020e+00, v21;
	v15 =	vpop (erf);
	v20 =	vmul.f32 v18, v0  }
0xb0: {  	s0 =	sadd.s32 $0x200, s0;
	v26 =	vmul.f32 v26, v0;
	v12 =	vadd.f32 v24, v8;
	[tilespmem:s19+$0x1900] =	vst v16;
	v17 =	vld [tilespmem:s17+$0x880];
	v16 =	vpop (erf);
	v25 =	vmul.f32 $1.442695020e+00, v10  }
0xb1: {  	s22 =	sor.u32 $0x100, s0;
	v24 =	vmul.f32 $1.442695020e+00, v22;
	[tilespmem:s19+$0x1880] =	vst v15;
	s19 =	sadd.s32 $0x20, s0;
	(erf) = vpow2.f32 v21;
	v15 =	vpop (erf);
	v10 =	vld.idx.msk [tilespmem:v13+s3+$0x0], $0xffff;
	v13 =	vadd.f32 v20, v7  }
0xb2: {  	v18 =	vmul.f32 v23, v0;
	v23 =	vld [tilespmem:s22+$0x800];
	s21 =	sor.u32 $0x100, s19;
	[tilespmem:s29+$0x1880] =	vst v16;
	v16 =	vpop (erf);
	(erf) = vpow2.f32 v25  }
0xb3: {  	s28 =	sor.u32 $0x180, s28;
	v27 =	vmul.f32 v27, v0;
	v21 =	vld [tilespmem:s21+$0x800];
	[tilespmem:s30+$0x1880] =	vst v15;
	v31 =	vmul.f32 $1.442695020e+00, v13  }
0xb4: {  	s26 =	sadd.s32 $0x10, s0;
	s13 =	sor.u32 $0x180, s1;
	v28 =	vadd.f32 v28, v9;
	v22 =	vmul.f32 v29, v0;
	s30 =	sadd.s32 $0x30, s0;
	v20 =	vld [tilespmem:s28+$0x800];
	[tilespmem:s23+$0x1880] =	vst v16;
	v25 =	vmul.f32 $1.442695020e+00, v12;
	v12 =	vpop (erf)  }
0xb5: {  	s29 =	simm.s32 $0x400;
	s31 =	sor.u32 $0x100, s30;
	v13 =	vadd.f32 v27, v11;
	v27 =	vmul.f32 v30, v0;
	[tilespmem:s23+$0x1900] =	vst v12;
	s23 =	sor.u32 $0x180, s0;
	v15 =	vpop (erf);
	v12 =	vld.idx.msk [tilespmem:v19+s3+$0x0], $0xffff;
	(erf) = vpow2.f32 v31  }
.LBB2_1:
0xb6: {  	s10 =	sadd.s32 $0x40, s10;
	s0 =	sshra.s32 s29, $0x2;
	v14 =	vmul.f32 v14, v0;
	v16 =	vadd.f32 v18, v11;
	v29 =	vld [tilespmem:s31+$0x800];
	(erf) = vpow2.f32 v25;
	[tilespmem:s6+$0x1880] =	vst v15;
	v15 =	vpop (erf);
	s6 =	smov.u32 s28  }
0xb7: {  	v30 =	vadd.f32 v26, v10;
	s28 =	sor.u32 $0x180, s18;
	s2 =	sand.u32 $0x40, s10;
	p1 =	slt.u32 s10, $0x3C0;
	v25 =	vmul.f32 $1.442695020e+00, v28;
	v26 =	vld [tilespmem:s13+$0x800];
	v18 =	vpop (erf);
	[tilespmem:s8+$0x1880] =	vst v15;
	v15 =	vmov v11  }
0xb8: {  	s8 =	sand.u32 $0x380, s10;
	v11 =	vadd.f32 v27, v9;
	v23 =	vmul.f32 v23, v0;
	s1 =	sor.u32 $0x10, s2;
	s3 =	sor.u32 $0x20, s2;
	(erf) = vpow2.f32 v24;
	[tilespmem:s24+$0x1880] =	vst v18  }
0xb9: {  	v17 =	vmul.f32 v17, v0;
	s5 =	sor.u32 $0x30, s2;
	v14 =	vadd.f32 v14, v10;
	v18 =	vld [tilespmem:s0+$0x0];
	s0 =	sor.u32 s1, s8;
	s24 =	sor.u32 s3, s8;
	(erf) = vpow2.f32 v25  }
0xba: {  	p0 =	por !p0, !p0;
	s18 =	smov.u32 s30;
	v24 =	vmul.f32 $1.442695020e+00, v30;
	s4 =	sor.u32 s5, s8;
	v11 =	vmul.f32 $1.442695020e+00, v11;
	v23 =	vadd.f32 v23, v4;
	v25 =	vld [tilespmem:s28+$0x800];
	v19 =	vpop (erf)  }
0xbb: {  	s30 =	sand.u32 $0xE00, s29;
	s8 =	smov.u32 s13;
	v28 =	vmul.f32 $1.442695020e+00, v14;
	v22 =	vadd.f32 v22, v12;
	v14 =	vmul.f32 v21, v0;
	v27 =	vld [tilespmem:s0+$0x0];
	[tilespmem:s7+$0x1880] =	vst v19;
	v19 =	vpop (erf);
	s7 =	smov.u32 s28  }
0xbc: {  	s2 =	sor.u32 s2, s30;
	s1 =	sor.u32 s1, s30;
	v17 =	vadd.f32 v17, v12;
	s28 =	sor.u32 s3, s30;
	v21 =	vld [tilespmem:s24+$0x0];
	(erf) = vpow2.f32 v11;
	v11 =	vmul.f32 v20, v0;
	[tilespmem:s9+$0x1880] =	vst v19  }
0xbd: {  	s13 =	smov.u32 s23;
	v20 =	vmul.f32 $1.442695020e+00, v23;
	v23 =	vadd.f32 v14, v3;
	s24 =	smov.u32 s31;
	v19 =	vld [tilespmem:s4+$0x0];
	(erf) = vpow2.f32 v24  }
0xbe: {  	s0 =	sor.u32 s5, s30;
	v17 =	vmul.f32 $1.442695020e+00, v17;
	v24 =	vmul.f32 v26, v0;
	v30 =	vld [tilespmem:s2+$0x880];
	v26 =	vpop (erf)  }
0xbf: {  	s9 =	sor.u32 $0x180, s20;
	s20 =	smov.u32 s26;
	v23 =	vmul.f32 $1.442695020e+00, v23;
	v14 =	vld [tilespmem:s2+$0x800];
	(erf) = vpow2.f32 v28;
	v28 =	vpop (erf);
	[tilespmem:s25+$0x1880] =	vst v26  }
0xc0: {  	v22 =	vmul.f32 $1.442695020e+00, v22;
	v11 =	vadd.f32 v11, v1;
	v1 =	vmovc v3;
	v3 =	vmovc v9;
	[tilespmem:s11+$0x1880] =	vst v28;
	(erf) = vpow2.f32 v20;
	v20 =	vld [tilespmem:s9+$0x800]  }
0xc1: {  	v9 =	vmul.f32 v29, v0;
	v26 =	vld [tilespmem:s28+$0x880];
	v28 =	vpop (erf);
	(erf) = vpow2.f32 v23;
	v23 =	vadd.f32 v24, v2  }
0xc2: {  	s25 =	sor.u32 $0x100, s20;
	v31 =	vmul.f32 $1.442695020e+00, v11;
	v2 =	vmov v4;
	v24 =	vld [tilespmem:s1+$0x880];
	v29 =	vpop (erf);
	(erf) = vpow2.f32 v22;
	[tilespmem:s11+$0x1900] =	vst v28;
	s11 =	smov.u32 s12;
	s12 =	smov.u32 s1  }
0xc3: {  	v9 =	vadd.f32 v9, v6;
	v4 =	vmovc v10;
	v22 =	vmul.f32 v25, v0;
	(erf) = vpow2.f32 v17;
	v17 =	vld [tilespmem:s25+$0x800]  }
0xc4: {  	v23 =	vmul.f32 $1.442695020e+00, v23;
	v10 =	vld [tilespmem:s12+$0x800];
	(erf) = vpow2.f32 v31  }
0xc5: {  	s31 =	simm.s32 $0x400;
	v25 =	vmul.f32 $1.442695020e+00, v9;
	v22 =	vadd.f32 v22, v5;
	v28 =	vld [tilespmem:s0+$0x800];
	v11 =	vpop (erf);
	v20 =	vmul.f32 v20, v0  }
0xc6: {  	s1 =	simm.s32 $0x1;
	v5 =	vmov v6;
	v6 =	vmov v12;
	v9 =	vld.idx.msk [tilespmem:v21+s31+$0x0], $0xffff;
	[tilespmem:s15+$0x1880] =	vst v11;
	v21 =	vpop (erf);
	(erf) = vpow2.f32 v23  }
0xc7: {  	s1 =	simm.s32 @!p0 $0x0;
	v12 =	vmul.f32 v26, v0;
	v11 =	vld.idx.msk [tilespmem:v27+s31+$0x0], $0xffff;
	[tilespmem:s15+$0x1900] =	vst v29;
	(erf) = vpow2.f32 v25;
	v20 =	vadd.f32 v20, v7;
	s15 =	smov.u32 s28  }
0xc8: {  	s1 =	sshll.u32 s1, $0x6;
	v22 =	vmul.f32 $1.442695020e+00, v22;
	v7 =	vmov v8;
	v27 =	vld [tilespmem:s15+$0x800];
	v23 =	vpop (erf);
	v25 =	vmul.f32 v17, v0  }
0xc9: {  	s1 =	sadd.s32 s1, s14;
	s14 =	smov.u32 s29;
	v8 =	vmov v15;
	v29 =	vmul.f32 v10, v0;
	v17 =	vld [tilespmem:s0+$0x880];
	[tilespmem:s16+$0x1900] =	vst v21;
	v21 =	vpop (erf);
	v31 =	vmul.f32 $1.442695020e+00, v20  }
.Ltmp0:
0xca: {  	s3 =	sor.u32 $0x100, s1;
	s4 =	sadd.s32 $0x20, s1;
	v10 =	vld.idx.msk [tilespmem:v18+s31+$0x0], $0xffff;
	v18 =	vmul.f32 v24, v0;
	[tilespmem:s16+$0x1880] =	vst v23;
	v32 =	vadd.f32 v25, v7;
	v26 =	vpop (erf);
	(erf) = vpow2.f32 v22;
	(pc) =	sbr.rel @p1 .LBB2_1-.Ltmp0, $4  }
0xcb: {  	s26 =	sadd.s32 $0x10, s1;
	s30 =	sadd.s32 $0x30, s1;
	s5 =	sor.u32 $0x100, s4;
	v24 =	vmul.f32 $1.442695020e+00, v16;
	v23 =	vld [tilespmem:s3+$0x800];
	v16 =	vpop (erf);
	[tilespmem:s22+$0x1880] =	vst v21;
	(erf) = vpow2.f32 v31  }
0xcc: {  	s23 =	sor.u32 $0x180, s1;
	s28 =	sor.u32 $0x180, s19;
	v25 =	vmul.f32 $1.442695020e+00, v13;
	s16 =	smov.u32 s2;
	v21 =	vld [tilespmem:s5+$0x800];
	v20 =	vpop (erf);
	v31 =	vmul.f32 $1.442695020e+00, v32;
	[tilespmem:s21+$0x1880] =	vst v26  }
0xcd: {  	s19 =	smov.u32 s4;
	v22 =	vmul.f32 v28, v0;
	s22 =	smov.u32 s3;
	v26 =	vmul.f32 v30, v0;
	v13 =	vadd.f32 v29, v11;
	s21 =	smov.u32 s5;
	[tilespmem:s17+$0x1900] =	vst v20;
	v20 =	vld [tilespmem:s28+$0x800];
	v15 =	vpop (erf)  }
0xce: {  	s29 =	sadd.s32 $0x100, s29;
	v28 =	vadd.f32 v12, v9;
	v27 =	vmul.f32 v27, v0;
	v12 =	vld.idx.msk [tilespmem:v19+s31+$0x0], $0xffff;
	[tilespmem:s17+$0x1880] =	vst v16;
	s31 =	sor.u32 $0x100, s30;
	(erf) = vpow2.f32 v31;
	s17 =	smov.u32 s0  }
0xcf: {  	(erf) = vpow2.f32 v25  }
0xd0: {  	(erf) = vpow2.f32 v24  }
0xd1: {  	v16 =	vmul.f32 v14, v0;
	_ =	sdelay $0x1  }
0xd2: {  	v14 =	vpop (erf);
	v57 =	vadd.f32 v26, v10;
	v59 =	vmul.f32 v17, v0;
	v63 =	vld [tilespmem:s13+$0x800]  }
0xd3: {  	v34 =	vld [tilespmem:s31+$0x800];
	v19 =	vmul.f32 $1.442695020e+00, v28;
	v56 =	vadd.f32 v27, v9;
	v58 =	vpop (erf);
	v23 =	vmul.f32 v23, v0  }
0xd4: {  	v60 =	vadd.f32 v16, v10;
	v62 =	vmul.f32 $1.442695020e+00, v57;
	v21 =	vmul.f32 v21, v0;
	v16 =	vpop (erf)  }
0xd5: {  	(erf) = vpow2.f32 v19;
	v61 =	vmul.f32 $1.442695020e+00, v56;
	v23 =	vadd.f32 v23, v4;
	v17 =	vpop (erf)  }
0xd6: {  	s4 =	sor.u32 $0x180, s18;
	[tilespmem:s24+$0x1880] =	vst v58;
	v20 =	vmul.f32 v20, v0;
	v32 =	vmul.f32 $1.442695020e+00, v60;
	v27 =	vadd.f32 v59, v12;
	v33 =	vpop (erf)  }
0xd7: {  	v36 =	vld [tilespmem:s4+$0x800];
	v21 =	vadd.f32 v21, v3;
	(erf) = vpow2.f32 v61;
	v23 =	vmul.f32 $1.442695020e+00, v23;
	[tilespmem:s25+$0x1880] =	vst v33;
	v35 =	vpop (erf)  }
0xd8: {  	s10 =	sor.u32 $0x180, s20;
	v22 =	vadd.f32 v22, v12;
	v40 =	vmul.f32 v63, v0;
	v19 =	vmul.f32 v34, v0;
	[tilespmem:s11+$0x1880] =	vst v35;
	v37 =	vpop (erf)  }
0xd9: {  	v1 =	vadd.f32 v20, v1;
	(erf) = vpow2.f32 v62;
	v27 =	vmul.f32 $1.442695020e+00, v27;
	v38 =	vld [tilespmem:s10+$0x800];
	[tilespmem:s11+$0x1900] =	vst v37;
	s11 =	sor.u32 $0x100, s26  }
0xda: {  	v21 =	vmul.f32 $1.442695020e+00, v21;
	v22 =	vmul.f32 $1.442695020e+00, v22;
	v39 =	vld [tilespmem:s11+$0x800]  }
0xdb: {  	(erf) = vpow2.f32 v32;
	v2 =	vadd.f32 v40, v2;
	v1 =	vmul.f32 $1.442695020e+00, v1  }
0xdc: {  	(erf) = vpow2.f32 v23;
	v41 =	vmul.f32 v36, v0  }
0xdd: {  	(erf) = vpow2.f32 v21;
	v2 =	vmul.f32 $1.442695020e+00, v2  }
0xde: {  	v19 =	vadd.f32 v19, v6;
	(erf) = vpow2.f32 v22;
	v42 =	vmul.f32 v38, v0  }
0xdf: {  	v5 =	vadd.f32 v41, v5;
	(erf) = vpow2.f32 v27;
	v43 =	vmul.f32 v39, v0  }
0xe0: {  	v44 =	vmul.f32 $1.442695020e+00, v19;
	(erf) = vpow2.f32 v1;
	v7 =	vadd.f32 v42, v7  }
0xe1: {  	v45 =	vpop (erf);
	v46 =	vmul.f32 $1.442695020e+00, v5;
	(erf) = vpow2.f32 v2;
	v47 =	vadd.f32 v43, v8  }
0xe2: {  	v48 =	vpop (erf);
	(erf) = vpow2.f32 v44;
	v49 =	vmul.f32 $1.442695020e+00, v7  }
0xe3: {  	v50 =	vadd.f32 v18, v11;
	p0 =	por !p0, !p0;
	s0 =	simm.s32 $0x1;
	v51 =	vpop (erf);
	(erf) = vpow2.f32 v46;
	v52 =	vmul.f32 $1.442695020e+00, v47  }
0xe4: {  	v54 =	vmul.f32 $1.442695020e+00, v13;
	s0 =	simm.s32 @!p0 $0x0;
	v53 =	vpop (erf);
	(erf) = vpow2.f32 v49  }
0xe5: {  	s0 =	sshll.u32 s0, $0x6;
	v55 =	vpop (erf);
	v7 =	vmul.f32 $1.442695020e+00, v50;
	(erf) = vpow2.f32 v52  }
0xe6: {  	s0 =	sadd.s32 s0, s14;
	[tilespmem:s15+$0x1900] =	vst v45;
	v56 =	vpop (erf);
	(erf) = vpow2.f32 v54  }
0xe7: {  	s20 =	sadd.s32 $0x20, s0;
	[tilespmem:s15+$0x1880] =	vst v48;
	v57 =	vpop (erf);
	(erf) = vpow2.f32 v7  }
0xe8: {  	s24 =	sor.u32 $0x100, s20;
	[tilespmem:s16+$0x1900] =	vst v51;
	v58 =	vpop (erf)  }
0xe9: {  	s14 =	sor.u32 $0x100, s0;
	v59 =	vld [tilespmem:s24+$0x800];
	[tilespmem:s16+$0x1880] =	vst v53;
	v18 =	vpop (erf)  }
0xea: {  	v5 =	vld [tilespmem:s14+$0x800];
	[tilespmem:s22+$0x1880] =	vst v55;
	v60 =	vpop (erf)  }
0xeb: {  	[tilespmem:s21+$0x1880] =	vst v56;
	v29 =	vld [tilespmem:s23+$0x800];
	v61 =	vpop (erf)  }
0xec: {  	s25 =	sor.u32 $0x180, s19;
	[tilespmem:s17+$0x1880] =	vst v57;
	v62 =	vpop (erf)  }
0xed: {  	s29 =	sadd.s32 $0x30, s0;
	v63 =	vld [tilespmem:s25+$0x800];
	[tilespmem:s17+$0x1900] =	vst v58;
	v28 =	vpop (erf)  }
0xee: {  	s1 =	sor.u32 $0x100, s29;
	[tilespmem:s31+$0x1880] =	vst v61;
	v30 =	vpop (erf)  }
0xef: {  	s2 =	sor.u32 $0x180, s30;
	v13 =	vmul.f32 v59, v0;
	v31 =	vld [tilespmem:s1+$0x800];
	v5 =	vmul.f32 v5, v0;
	v32 =	vpop (erf);
	[tilespmem:s11+$0x1880] =	vst v30  }
0xf0: {  	s5 =	sor.u32 $0x180, s26;
	s3 =	sadd.s32 $0x10, s0;
	v2 =	vmul.f32 v29, v0;
	v33 =	vld [tilespmem:s2+$0x800];
	[tilespmem:s12+$0x1880] =	vst v32;
	v34 =	vpop (erf)  }
0xf1: {  	s18 =	sor.u32 $0x100, s3;
	v13 =	vadd.f32 v13, v9;
	v5 =	vadd.f32 v5, v10;
	v35 =	vld [tilespmem:s5+$0x800];
	[tilespmem:s12+$0x1900] =	vst v34  }
0xf2: {  	v1 =	vmul.f32 v63, v0;
	v2 =	vadd.f32 v2, v4;
	v23 =	vld [tilespmem:s18+$0x800]  }
0xf3: {  	v13 =	vmul.f32 $1.442695020e+00, v13;
	v5 =	vmul.f32 $1.442695020e+00, v5  }
0xf4: {  	v1 =	vadd.f32 v1, v3;
	v36 =	vmul.f32 v31, v0;
	v2 =	vmul.f32 $1.442695020e+00, v2  }
0xf5: {  	(erf) = vpow2.f32 v5;
	v37 =	vmul.f32 v33, v0  }
0xf6: {  	v1 =	vmul.f32 $1.442695020e+00, v1;
	v3 =	vadd.f32 v36, v12;
	v38 =	vmul.f32 v35, v0  }
0xf7: {  	(erf) = vpow2.f32 v13;
	v4 =	vadd.f32 v37, v6;
	v39 =	vmul.f32 v23, v0  }
0xf8: {  	(erf) = vpow2.f32 v1;
	v40 =	vmul.f32 $1.442695020e+00, v3;
	v41 =	vadd.f32 v38, v8  }
0xf9: {  	(erf) = vpow2.f32 v2;
	v42 =	vmul.f32 $1.442695020e+00, v4;
	v43 =	vadd.f32 v39, v11  }
0xfa: {  	(erf) = vpow2.f32 v40;
	v44 =	vmul.f32 $1.442695020e+00, v41  }
0xfb: {  	(erf) = vpow2.f32 v42;
	v45 =	vmul.f32 $1.442695020e+00, v43  }
0xfc: {  	(erf) = vpow2.f32 v44  }
0xfd: {  	(erf) = vpow2.f32 v45;
	_ =	sdelay $0x1  }
0xfe: {  	v46 =	vpop (erf)  }
0xff: {  	v47 =	vpop (erf)  }
0x100: {  	v48 =	vpop (erf)  }
0x101: {  	v49 =	vpop (erf)  }
0x102: {  	v50 =	vpop (erf)  }
0x103: {  	s19 =	sor.u32 $0x180, s20;
	[tilespmem:s24+$0x1880] =	vst v47;
	v51 =	vpop (erf)  }
0x104: {  	s11 =	sor.u32 $0x180, s0;
	[tilespmem:s14+$0x1880] =	vst v46;
	v52 =	vld [tilespmem:s19+$0x800];
	v53 =	vpop (erf)  }
0x105: {  	s20 =	sor.u32 $0x180, s29;
	v54 =	vld [tilespmem:s11+$0x800];
	[tilespmem:s1+$0x1880] =	vst v50;
	v55 =	vpop (erf)  }
0x106: {  	s3 =	sor.u32 $0x180, s3;
	v56 =	vld [tilespmem:s20+$0x800];
	[tilespmem:s18+$0x1880] =	vst v55  }
0x107: {  	v57 =	vld [tilespmem:s3+$0x800];
	_ =	sdelay $0x1  }
0x108: {  	v1 =	vmul.f32 v52, v0  }
0x109: {  	v5 =	vmul.f32 v54, v0  }
0x10a: {  	v1 =	vadd.f32 v1, v9;
	v8 =	vmul.f32 v56, v0  }
0x10b: {  	v5 =	vadd.f32 v5, v10;
	v58 =	vmul.f32 v57, v0  }
0x10c: {  	[tilespmem:s6+$0x1880] =	vst v15;
	v1 =	vmul.f32 $1.442695020e+00, v1;
	v8 =	vadd.f32 v8, v12  }
0x10d: {  	[tilespmem:s8+$0x1880] =	vst v14;
	v5 =	vmul.f32 $1.442695020e+00, v5;
	v0 =	vadd.f32 v58, v11  }
0x10e: {  	[tilespmem:s7+$0x1880] =	vst v16;
	(erf) = vpow2.f32 v1;
	v59 =	vmul.f32 $1.442695020e+00, v8  }
0x10f: {  	[tilespmem:s9+$0x1880] =	vst v17;
	(erf) = vpow2.f32 v5;
	v0 =	vmul.f32 $1.442695020e+00, v0  }
0x110: {  	[tilespmem:s28+$0x1880] =	vst v18;
	(erf) = vpow2.f32 v59  }
0x111: {  	[tilespmem:s13+$0x1880] =	vst v60;
	(erf) = vpow2.f32 v0  }
0x112: {  	[tilespmem:s4+$0x1880] =	vst v62  }
0x113: {  	[tilespmem:s10+$0x1880] =	vst v28  }
0x114: {  	[tilespmem:s25+$0x1880] =	vst v48  }
0x115: {  	[tilespmem:s23+$0x1880] =	vst v49  }
0x116: {  	[tilespmem:s2+$0x1880] =	vst v51  }
0x117: {  	[tilespmem:s5+$0x1880] =	vst v53;
	v60 =	vpop (erf)  }
0x118: {  	[tilespmem:s19+$0x1880] =	vst v60;
	v61 =	vpop (erf)  }
0x119: {  	[tilespmem:s11+$0x1880] =	vst v61;
	v62 =	vpop (erf)  }
0x11a: {  	[tilespmem:s20+$0x1880] =	vst v62;
	v63 =	vpop (erf)  }
0x11b: {  	s21 =	rddreg [dreg:$0x4];
	[tilespmem:s3+$0x1880] =	vst v63  }
0x11c: {  	s1 =	rddreg [dreg:$0x6]  }
0x11d: {  	s22 =	simm.s32 $0x1880;
	s0 =	simm.s32 $0x0;
	s2 =	sadd.s32 s21, s1  }
0x11e: {  	[hbm4b:s2+s0] =	stream.linear.scatter [tilespmem:s22], [sflag:$0x1], $0x80, $0x38;
	[tilespmem:$0x2880] =	vst v63  }
0x11f: {  	s24 =	simm.s32 $0x1A80;
	s23 =	sadd.s32 $0x10, s2  }
0x120: {  	[hbm4b:s23+s0] =	stream.linear.scatter [tilespmem:s24], [sflag:$0x1], $0x80, $0x38;
	[tilespmem:$0x2880] =	vst v63  }
0x121: {  	s26 =	simm.s32 $0x1C80;
	s25 =	sadd.s32 $0x20, s2  }
0x122: {  	[hbm4b:s25+s0] =	stream.linear.scatter [tilespmem:s26], [sflag:$0x1], $0x80, $0x38;
	[tilespmem:$0x2880] =	vst v63  }
0x123: {  	s29 =	simm.s32 $0x1E80;
	s28 =	sadd.s32 $0x30, s2  }
0x124: {  	[hbm4b:s28+s0] =	stream.linear.scatter [tilespmem:s29], [sflag:$0x1], $0x80, $0x38;
	[tilespmem:$0x2880] =	vst v63  }
0x125: {  	s31 =	simm.s32 $0x2080;
	s30 =	sadd.s32 $0x40, s2  }
0x126: {  	[hbm4b:s30+s0] =	stream.linear.scatter [tilespmem:s31], [sflag:$0x1], $0x80, $0x38;
	[tilespmem:$0x2880] =	vst v63  }
0x127: {  	s4 =	simm.s32 $0x2280;
	s3 =	sadd.s32 $0x50, s2  }
0x128: {  	[hbm4b:s3+s0] =	stream.linear.scatter [tilespmem:s4], [sflag:$0x1], $0x80, $0x38;
	[tilespmem:$0x2880] =	vst v63  }
0x129: {  	s6 =	simm.s32 $0x2480;
	s5 =	sadd.s32 $0x60, s2  }
0x12a: {  	[hbm4b:s5+s0] =	stream.linear.scatter [tilespmem:s6], [sflag:$0x1], $0x80, $0x38;
	[tilespmem:$0x2880] =	vst v63  }
0x12b: {  	s8 =	simm.s32 $0x2680;
	s7 =	sadd.s32 $0x70, s2  }
0x12c: {  	[hbm4b:s7+s0] =	stream.linear.scatter [tilespmem:s8], [sflag:$0x1], $0x80, $0x38;
	[tilespmem:$0x2880] =	vst v63  }
0x12d: {  	s10 =	simm.s32 $0x1900;
	s9 =	sadd.s32 $0x800, s2  }
0x12e: {  	[hbm4b:s9+s0] =	stream.linear.scatter [tilespmem:s10], [sflag:$0x1], $0x80, $0x38;
	[tilespmem:$0x2880] =	vst v63  }
0x12f: {  	s12 =	simm.s32 $0x1B00;
	s11 =	sadd.s32 $0x810, s2  }
0x130: {  	[hbm4b:s11+s0] =	stream.linear.scatter [tilespmem:s12], [sflag:$0x1], $0x80, $0x38;
	[tilespmem:$0x2880] =	vst v63  }
0x131: {  	s14 =	simm.s32 $0x1D00;
	s13 =	sadd.s32 $0x820, s2  }
0x132: {  	[hbm4b:s13+s0] =	stream.linear.scatter [tilespmem:s14], [sflag:$0x1], $0x80, $0x38;
	[tilespmem:$0x2880] =	vst v63  }
0x133: {  	s16 =	simm.s32 $0x1F00;
	s15 =	sadd.s32 $0x830, s2  }
0x134: {  	[hbm4b:s15+s0] =	stream.linear.scatter [tilespmem:s16], [sflag:$0x1], $0x80, $0x38;
	[tilespmem:$0x2880] =	vst v63  }
0x135: {  	s18 =	simm.s32 $0x2100;
	s17 =	sadd.s32 $0x840, s2  }
0x136: {  	[hbm4b:s17+s0] =	stream.linear.scatter [tilespmem:s18], [sflag:$0x1], $0x80, $0x38;
	[tilespmem:$0x2880] =	vst v63  }
0x137: {  	s20 =	simm.s32 $0x2300;
	s19 =	sadd.s32 $0x850, s2  }
0x138: {  	[hbm4b:s19+s0] =	stream.linear.scatter [tilespmem:s20], [sflag:$0x1], $0x80, $0x38;
	[tilespmem:$0x2880] =	vst v63  }
0x139: {  	s21 =	sadd.s32 $0x860, s2;
	s22 =	simm.s32 $0x2500  }
0x13a: {  	[hbm4b:s21+s0] =	stream.linear.scatter [tilespmem:s22], [sflag:$0x1], $0x80, $0x38;
	[tilespmem:$0x2880] =	vst v63  }
0x13b: {  	s23 =	sadd.s32 $0x870, s2;
	s24 =	simm.s32 $0x2700  }
0x13c: {  	[hbm4b:s23+s0] =	stream.linear.scatter [tilespmem:s24], [sflag:$0x1], $0x80, $0x38;
	[tilespmem:$0x2880] =	vst v63  }
0x13d: {  	s25 =	sadd.s32 $0x1000, s2;
	s26 =	simm.s32 $0x1980  }
0x13e: {  	[hbm4b:s25+s0] =	stream.linear.scatter [tilespmem:s26], [sflag:$0x1], $0x80, $0x38;
	[tilespmem:$0x2880] =	vst v63  }
0x13f: {  	s28 =	sadd.s32 $0x1010, s2;
	s29 =	simm.s32 $0x1B80  }
0x140: {  	[hbm4b:s28+s0] =	stream.linear.scatter [tilespmem:s29], [sflag:$0x1], $0x80, $0x38;
	[tilespmem:$0x2880] =	vst v63  }
0x141: {  	s30 =	sadd.s32 $0x1020, s2;
	s31 =	simm.s32 $0x1D80  }
0x142: {  	[hbm4b:s30+s0] =	stream.linear.scatter [tilespmem:s31], [sflag:$0x1], $0x80, $0x38;
	[tilespmem:$0x2880] =	vst v63  }
0x143: {  	s3 =	sadd.s32 $0x1030, s2;
	s4 =	simm.s32 $0x1F80  }
0x144: {  	[hbm4b:s3+s0] =	stream.linear.scatter [tilespmem:s4], [sflag:$0x1], $0x80, $0x38;
	[tilespmem:$0x2880] =	vst v63  }
0x145: {  	s5 =	sadd.s32 $0x1040, s2;
	s6 =	simm.s32 $0x2180  }
0x146: {  	[hbm4b:s5+s0] =	stream.linear.scatter [tilespmem:s6], [sflag:$0x1], $0x80, $0x38;
	[tilespmem:$0x2880] =	vst v63  }
0x147: {  	s7 =	sadd.s32 $0x1050, s2;
	s8 =	simm.s32 $0x2380  }
0x148: {  	[hbm4b:s7+s0] =	stream.linear.scatter [tilespmem:s8], [sflag:$0x1], $0x80, $0x38;
	[tilespmem:$0x2880] =	vst v63  }
0x149: {  	s9 =	sadd.s32 $0x1060, s2;
	s10 =	simm.s32 $0x2580  }
0x14a: {  	[hbm4b:s9+s0] =	stream.linear.scatter [tilespmem:s10], [sflag:$0x1], $0x80, $0x38;
	[tilespmem:$0x2880] =	vst v63  }
0x14b: {  	s11 =	sadd.s32 $0x1070, s2;
	s12 =	simm.s32 $0x2780  }
0x14c: {  	[hbm4b:s11+s0] =	stream.linear.scatter [tilespmem:s12], [sflag:$0x1], $0x80, $0x38;
	[tilespmem:$0x2880] =	vst v63  }
0x14d: {  	s13 =	sadd.s32 $0x1800, s2;
	s14 =	simm.s32 $0x1A00  }
0x14e: {  	[hbm4b:s13+s0] =	stream.linear.scatter [tilespmem:s14], [sflag:$0x1], $0x80, $0x38;
	[tilespmem:$0x2880] =	vst v63  }
0x14f: {  	s15 =	sadd.s32 $0x1810, s2;
	s16 =	simm.s32 $0x1C00  }
0x150: {  	[hbm4b:s15+s0] =	stream.linear.scatter [tilespmem:s16], [sflag:$0x1], $0x80, $0x38;
	[tilespmem:$0x2880] =	vst v63  }
0x151: {  	s17 =	sadd.s32 $0x1820, s2;
	s18 =	simm.s32 $0x1E00  }
0x152: {  	[hbm4b:s17+s0] =	stream.linear.scatter [tilespmem:s18], [sflag:$0x1], $0x80, $0x38;
	[tilespmem:$0x2880] =	vst v63  }
0x153: {  	s19 =	sadd.s32 $0x1830, s2;
	s20 =	simm.s32 $0x2000  }
0x154: {  	[hbm4b:s19+s0] =	stream.linear.scatter [tilespmem:s20], [sflag:$0x1], $0x80, $0x38;
	[tilespmem:$0x2880] =	vst v63  }
0x155: {  	s21 =	sadd.s32 $0x1840, s2;
	s22 =	simm.s32 $0x2200  }
0x156: {  	[hbm4b:s21+s0] =	stream.linear.scatter [tilespmem:s22], [sflag:$0x1], $0x80, $0x38;
	[tilespmem:$0x2880] =	vst v63  }
0x157: {  	s23 =	sadd.s32 $0x1850, s2;
	s24 =	simm.s32 $0x2400  }
0x158: {  	[hbm4b:s23+s0] =	stream.linear.scatter [tilespmem:s24], [sflag:$0x1], $0x80, $0x38;
	[tilespmem:$0x2880] =	vst v63  }
0x159: {  	s25 =	sadd.s32 $0x1860, s2;
	s26 =	simm.s32 $0x2600  }
0x15a: {  	[hbm4b:s25+s0] =	stream.linear.scatter [tilespmem:s26], [sflag:$0x1], $0x80, $0x38;
	[tilespmem:$0x2880] =	vst v63  }
0x15b: {  	s28 =	sadd.s32 $0x1870, s2;
	s29 =	simm.s32 $0x2800;
	s30 =	simm.s32 $0x1  }
0x15c: {  	[hbm4b:s28+s0] =	stream.linear.scatter [tilespmem:s29], [sflag:$0x1], $0x80, $0x38;
	[tilespmem:$0x2880] =	vst v63  }
0x15d: {  	_ =	swait.ge [sflag:s30], $0x400  }
0x15e: {  	[sflag:s30] =	ssyncset.done $0x0  }
0x15f: {  	[sflag:s30] =	ssyncadd.s32 $0xFFFFFC00  }
0x160: {  	_ =	swait.ge [sflag:s30], $0x400  }
0x161: {  	[sflag:s30] =	ssyncset.done $0x0  }
0x162: {  	[sflag:s30] =	ssyncadd.s32 $0xFFFFFC00  }
0x163: {  	_ =	swait.ge [sflag:s30], $0x400  }
0x164: {  	[sflag:s30] =	ssyncset.done $0x0  }
0x165: {  	[sflag:s30] =	ssyncadd.s32 $0xFFFFFC00  }
0x166: {  	_ =	swait.ge [sflag:s30], $0x400  }
0x167: {  	[sflag:s30] =	ssyncset.done $0x0  }
0x168: {  	[sflag:s30] =	ssyncadd.s32 $0xFFFFFC00  }
0x169: {  	_ =	sfence.sel $0x180000  }
0x16a: {  	[bflag:$0x0] =	sbarrier.arrive $0xFFFF  }
0x16b: {  	_ =	strace $0x90000047  }
0x16c: {  	s31 =	stileid.u32;
	[bflag:$0x2] =	sbarrier.arrive $0xFFFF  }
0x16d: {  	p0 =	sne.s32 s31, $0x0;
	s0 =	rddreg [dreg:$0x5]  }
0x16e: {  	s0 =	sadd.s32 @!p0 $0x100000, s0  }
0x16f: {  	[sflag:s0] =	ssyncadd.tile.s32 @!p0 $0x1;
	_ =	shalt  }
.Lfunc_end2:
_tile_overlayer_lowered:
.L_overlay_start_2:
0x170: {  	(tag) =	ssettag $0x2  }
0x171: {  	s0 =	rddreg [dreg:$0x0];
	s2 =	stileid.u32  }
0x172: {  	s1 =	rddreg [dreg:$0x1];
	p0 =	sne.s32 s2, $0x0  }
0x173: {  	s3 =	rddreg [dreg:$0x2];
	[bflag:$0x3] =	sbarrier.arrive $0xFFFF;
	s2 =	simm.s32 @!p0 $0x1C02  }
0x174: {  	[timem:s3], [sflag:s2] =	dma.local @!p0 [hbm:s0], s1  }
0x175: {  	s0 =	simm.s32 @!p0 $0x2  }
0x176: {  	_ =	swait.ge @!p0 [sflag:s0], s1  }
0x177: {  	s1 =	ssub.s32 @!p0 $0x0, s1;
	[sflag:s0] =	ssyncset.done @!p0 $0x0  }
0x178: {  	[sflag:s0] =	ssyncadd.s32 @!p0 s1  }
0x179: {  	[bflag:$0x3] =	sbarrier.arrive $0xFFFF  }
0x17a: {  	_ =	shalt  }

</sc_bundles>
